<compile_context>
chip_gen: v7x
topology: tpu7x:2x2x1
jax: 0.10.2.dev20260603
libtpu: 0.0.44.dev20260713+nightly
codegen_flags: <defaults>
</compile_context>

<pallas_src>
import functools
import math

import jax
import jax.numpy as jnp
from jax import lax
from jax.experimental import pallas as pl
from jax.experimental.pallas import tpu as pltpu
from jax.experimental.pallas import tpu_sc as plsc

D_MODEL_ = 64
SCALE_ = math.sqrt(D_MODEL_)

_info = plsc.get_sparse_core_info()
_NC, _NS, _L = _info.num_cores, _info.num_subcores, _info.num_lanes
_NW = _NC * _NS

_CH = 128


def _make_sc_gather(N, V, D):
    assert N % (_NW * 2 * _CH) == 0
    ch_per_w = N // (_NW * _CH)
    n_pairs = ch_per_w // 2
    rows2 = _CH // 2
    mesh = plsc.VectorSubcoreMesh(core_axis_name="c", subcore_axis_name="s")

    @functools.partial(
        pl.kernel,
        mesh=mesh,
        out_type=jax.ShapeDtypeStruct((N // 2, 2 * D), jnp.float32),
        scratch_types=[
            pltpu.VMEM((ch_per_w, _CH), jnp.int32),
            pltpu.VMEM((_CH, D), jnp.float32),
            pltpu.VMEM((_CH, D), jnp.float32),
            pltpu.VMEM((rows2, 2 * D), jnp.float32),
            pltpu.VMEM((rows2, 2 * D), jnp.float32),
            pltpu.SemaphoreType.DMA,
            pltpu.SemaphoreType.DMA,
            pltpu.SemaphoreType.DMA,
            pltpu.SemaphoreType.DMA,
        ],
        compiler_params=pltpu.CompilerParams(use_tc_tiling_on_sc=False),
    )
    def sc_gather(idx_hbm, table_hbm, out_hbm, idx_v, g0, g1, w0, w1,
                  gs0, gs1, ws0, ws1):
        wid = lax.axis_index("s") * _NC + lax.axis_index("c")
        pltpu.sync_copy(idx_hbm.at[pl.ds(wid * ch_per_w, ch_per_w)], idx_v)

        def gather(c, buf, sem):
            return pltpu.make_async_copy(
                table_hbm.at[idx_v.at[c]], buf, sem)

        def writeback(c, buf, sem):
            return pltpu.make_async_copy(
                buf,
                out_hbm.at[pl.ds((wid * ch_per_w + c) * rows2, rows2)], sem)

        def scale(src, dst):
            def body(i, carry):
                for k in range(4):
                    q = i + 16 * k
                    for j in range(D // _L):
                        sl = pl.ds(j * _L, _L)
                        dst[q, pl.ds(j * _L, _L)] = (
                            src[2 * i + 32 * k, sl] * SCALE_)
                        dst[q, pl.ds(D + j * _L, _L)] = (
                            src[2 * i + 32 * k + 1, sl] * SCALE_)
                return carry
            lax.fori_loop(0, 16, body, 0)

        gather(0, g0, gs0).start()
        gather(1, g1, gs1).start()

        def pair(t, carry):
            c0 = 2 * t
            c1 = c0 + 1

            gather(c0, g0, gs0).wait()

            @pl.when(t > 0)
            def _():
                writeback(c0, w0, ws0).wait()

            scale(g0, w0)

            @pl.when(t < n_pairs - 1)
            def _():
                gather(c0 + 2, g0, gs0).start()

            writeback(c0, w0, ws0).start()

            gather(c1, g1, gs1).wait()

            @pl.when(t > 0)
            def _():
                writeback(c1, w1, ws1).wait()

            scale(g1, w1)

            @pl.when(t < n_pairs - 1)
            def _():
                gather(c1 + 2, g1, gs1).start()

            writeback(c1, w1, ws1).start()
            return carry

        lax.fori_loop(0, n_pairs, pair, 0)
        writeback(2 * n_pairs - 2, w0, ws0).wait()
        writeback(2 * n_pairs - 1, w1, ws1).wait()

    return sc_gather


def kernel(x, table):
    B1, S = x.shape
    V, D = table.shape
    N = B1 * S
    idx2d = x.reshape(N // _CH, _CH).astype(jnp.int32)
    mid = _make_sc_gather(N, V, D)(idx2d, table)
    return mid.reshape(B1, S, D)

# --- scband reference (transcript-rebuilt; emitter-appended) ---
"""Pipeline reference for scband-input-embeddings-27006754357608 (READ-ONLY COPY).

The authoritative reference and input builder live on the scoring server;
editing this copy changes nothing except your own understanding.
"""

import jax, jax.numpy as jnp
import numpy as np
import math

D_MODEL = 64
VOCAB_SIZE = 1000000

def setup_inputs(seed: int = 0) -> dict:
    key = jax.random.key(seed)
    k1, k2 = jax.random.split(key)
    x = jax.random.randint(k1, (4096, 50), 0, VOCAB_SIZE, dtype=jnp.int64 if jax.config.jax_enable_x64 else jnp.int32)
    table = jax.random.normal(k2, (VOCAB_SIZE, D_MODEL), dtype=jnp.float32)
    return {"x": x, "table": table}

def reference(x, table):
    # InputEmbeddings.forward: embedding(x) * sqrt(d_model)
    emb = jnp.take(table, x, axis=0)
    return emb * math.sqrt(D_MODEL)

if __name__ == "__main__":
    import jax
    _d = setup_inputs()
    print(jax.jit(kernel)(*tuple(_d.values())))

</pallas_src>

<mosaic_0001>
#map = affine_map<(d0, d1) -> (0, 0)>
module attributes {stable_mosaic.version = 14 : i64} {
  func.func @sc_gather(%arg0: i32, %arg1: i32, %arg2: memref<1600x128xi32, #tpu.memory_space<hbm>>, %arg3: memref<1000000x64xf32, #tpu.memory_space<hbm>>, %arg4: memref<102400x128xf32, #tpu.memory_space<hbm>>, %arg5: memref<50x128xi32, #tpu.memory_space<vmem>>, %arg6: memref<128x64xf32, #tpu.memory_space<vmem>>, %arg7: memref<128x64xf32, #tpu.memory_space<vmem>>, %arg8: memref<64x128xf32, #tpu.memory_space<vmem>>, %arg9: memref<64x128xf32, #tpu.memory_space<vmem>>, %arg10: memref<!tpu.dma_semaphore, #tpu.memory_space<semaphore_mem>>, %arg11: memref<!tpu.dma_semaphore, #tpu.memory_space<semaphore_mem>>, %arg12: memref<!tpu.dma_semaphore, #tpu.memory_space<semaphore_mem>>, %arg13: memref<!tpu.dma_semaphore, #tpu.memory_space<semaphore_mem>>) attributes {dimension_semantics = [#tpu.dimension_semantics<core_parallel>, #tpu.dimension_semantics<subcore_parallel>], iteration_bounds = array<i64: 2, 16>, scalar_prefetch = 0 : i64, scratch_operands = 9 : i64, tpu.core_type = #tpu.core_type<sc_vector_subcore>, window_params = [{transform_indices = #map}, {transform_indices = #map}, {transform_indices = #map}]} {
    %mul3A = arith.constant 2 : i32
    %mul3A_0 = arith.muli %arg1, %mul3A : i32
    %add3A = arith.addi %mul3A_0, %arg0 : i32
    %mul3A_1 = arith.constant 50 : i32
    %mul3A_2 = arith.muli %add3A, %mul3A_1 : i32
    "tpu.region"() ({
      %run_scoped3A = tpu.sem_alloc : memref<!tpu.dma_semaphore, #tpu.memory_space<semaphore_mem>>
      %dma_start3A_40 = arith.constant 0 : i32
      %dma_start3A_41 = tpu.memref_slice %arg2[%mul3A_2, %dma_start3A_40] : memref<1600x128xi32, #tpu.memory_space<hbm>> -> memref<50x128xi32, #tpu.memory_space<hbm>>
      %dma_start3A_42 = arith.constant 0 : i32
      %dma_start3A_43 = tpu.memref_slice %arg2[%mul3A_2, %dma_start3A_42] : memref<1600x128xi32, #tpu.memory_space<hbm>> -> memref<50x128xi32, #tpu.memory_space<hbm>>
      tpu.enqueue_dma source(%dma_start3A_43 : memref<50x128xi32, #tpu.memory_space<hbm>>) target(%arg5 : memref<50x128xi32, #tpu.memory_space<vmem>>) target_semaphore(%run_scoped3A : memref<!tpu.dma_semaphore, #tpu.memory_space<semaphore_mem>>)
      %dma_wait3A_44 = arith.constant 0 : i32
      %dma_wait3A_45 = tpu.memref_slice %arg2[%mul3A_2, %dma_wait3A_44] : memref<1600x128xi32, #tpu.memory_space<hbm>> -> memref<50x128xi32, #tpu.memory_space<hbm>>
      %dma_wait3A_46 = arith.constant 0 : i32
      %dma_wait3A_47 = tpu.memref_slice %arg2[%mul3A_2, %dma_wait3A_46] : memref<1600x128xi32, #tpu.memory_space<hbm>> -> memref<50x128xi32, #tpu.memory_space<hbm>>
      tpu.wait_dma2 semaphore(%run_scoped3A : memref<!tpu.dma_semaphore, #tpu.memory_space<semaphore_mem>>) src(%dma_wait3A_47 : memref<50x128xi32, #tpu.memory_space<hbm>>) dst(%arg5 : memref<50x128xi32, #tpu.memory_space<vmem>>)
      tpu.yield
    }) : () -> ()
    %dma_start3A = arith.constant 0 : i32
    %dma_start3A_3 = arith.constant 0 : i32
    %dma_start3A_4 = tpu.memref_slice %arg5[%dma_start3A, %dma_start3A_3] : memref<50x128xi32, #tpu.memory_space<vmem>> -> memref<1x128xi32, #tpu.memory_space<vmem>>
    %dma_start3A_5 = tpu.memref_squeeze %dma_start3A_4 : memref<1x128xi32, #tpu.memory_space<vmem>> -> memref<128xi32, #tpu.memory_space<vmem>>
    %dma_start3A_6 = arith.constant 0 : i32
    %dma_start3A_7 = arith.constant 0 : i32
    %dma_start3A_8 = tpu.memref_slice %arg3[%dma_start3A_6, %dma_start3A_7] : memref<1000000x64xf32, #tpu.memory_space<hbm>> -> memref<1000000x64xf32, #tpu.memory_space<hbm>>
    tpu.enqueue_indirect_dma source(%dma_start3A_8 : memref<1000000x64xf32, #tpu.memory_space<hbm>>) target(%arg6 : memref<128x64xf32, #tpu.memory_space<vmem>>) offsets(%dma_start3A_5 : memref<128xi32, #tpu.memory_space<vmem>>) semaphore(%arg10 : memref<!tpu.dma_semaphore, #tpu.memory_space<semaphore_mem>>)
    %dma_start3A_9 = arith.constant 1 : i32
    %dma_start3A_10 = arith.constant 0 : i32
    %dma_start3A_11 = tpu.memref_slice %arg5[%dma_start3A_9, %dma_start3A_10] : memref<50x128xi32, #tpu.memory_space<vmem>> -> memref<1x128xi32, #tpu.memory_space<vmem>>
    %dma_start3A_12 = tpu.memref_squeeze %dma_start3A_11 : memref<1x128xi32, #tpu.memory_space<vmem>> -> memref<128xi32, #tpu.memory_space<vmem>>
    %dma_start3A_13 = arith.constant 0 : i32
    %dma_start3A_14 = arith.constant 0 : i32
    %dma_start3A_15 = tpu.memref_slice %arg3[%dma_start3A_13, %dma_start3A_14] : memref<1000000x64xf32, #tpu.memory_space<hbm>> -> memref<1000000x64xf32, #tpu.memory_space<hbm>>
    tpu.enqueue_indirect_dma source(%dma_start3A_15 : memref<1000000x64xf32, #tpu.memory_space<hbm>>) target(%arg7 : memref<128x64xf32, #tpu.memory_space<vmem>>) offsets(%dma_start3A_12 : memref<128xi32, #tpu.memory_space<vmem>>) semaphore(%arg11 : memref<!tpu.dma_semaphore, #tpu.memory_space<semaphore_mem>>)
    %scan3A = arith.constant 0 : i32
    %scan3A_16 = arith.constant 0 : i32
    %scan3A_17 = arith.constant 25 : i32
    %scan3A_18 = arith.addi %scan3A_16, %scan3A_17 : i32
    %scan3A_19 = arith.constant 1 : i32
    scf.for %scan3A_40 = %scan3A_16 to %scan3A_18 step %scan3A_19  : i32 {
      %mul3A_41 = arith.constant 2 : i32
      %mul3A_42 = arith.muli %mul3A_41, %scan3A_40 : i32
      %add3A_43 = arith.constant 1 : i32
      %add3A_44 = arith.addi %mul3A_42, %add3A_43 : i32
      %dma_wait3A_45 = arith.constant 0 : i32
      %dma_wait3A_46 = tpu.memref_slice %arg5[%mul3A_42, %dma_wait3A_45] : memref<50x128xi32, #tpu.memory_space<vmem>> -> memref<1x128xi32, #tpu.memory_space<vmem>>
      %dma_wait3A_47 = tpu.memref_squeeze %dma_wait3A_46 : memref<1x128xi32, #tpu.memory_space<vmem>> -> memref<128xi32, #tpu.memory_space<vmem>>
      %dma_wait3A_48 = arith.constant 0 : i32
      %dma_wait3A_49 = arith.constant 0 : i32
      %dma_wait3A_50 = tpu.memref_slice %arg3[%dma_wait3A_48, %dma_wait3A_49] : memref<1000000x64xf32, #tpu.memory_space<hbm>> -> memref<1000000x64xf32, #tpu.memory_space<hbm>>
      tpu.wait_indirect_dma semaphore(%arg10 : memref<!tpu.dma_semaphore, #tpu.memory_space<semaphore_mem>>) src(%dma_wait3A_50 : memref<1000000x64xf32, #tpu.memory_space<hbm>>) dst(%arg6 : memref<128x64xf32, #tpu.memory_space<vmem>>)
      %gt3A = arith.constant 0 : i32
      %gt3A_51 = arith.cmpi sgt, %scan3A_40, %gt3A : i32
      %convert_element_type3A = arith.extui %gt3A_51 : i1 to i32
      %cond3A = arith.constant 0 : i32
      %cond3A_52 = arith.cmpi ne, %convert_element_type3A, %cond3A : i32
      scf.if %cond3A_52 {
        %mul3A_103 = arith.constant 50 : i32
        %mul3A_104 = arith.muli %add3A, %mul3A_103 : i32
        %add3A_105 = arith.addi %mul3A_104, %mul3A_42 : i32
        %mul3A_106 = arith.constant 64 : i32
        %mul3A_107 = arith.muli %add3A_105, %mul3A_106 : i32
        %dma_wait3A_108 = arith.constant 0 : i32
        %dma_wait3A_109 = tpu.memref_slice %arg4[%mul3A_107, %dma_wait3A_108] : memref<102400x128xf32, #tpu.memory_space<hbm>> -> memref<64x128xf32, #tpu.memory_space<hbm>>
        %dma_wait3A_110 = arith.constant 0 : i32
        %dma_wait3A_111 = tpu.memref_slice %arg4[%mul3A_107, %dma_wait3A_110] : memref<102400x128xf32, #tpu.memory_space<hbm>> -> memref<64x128xf32, #tpu.memory_space<hbm>>
        tpu.wait_dma2 semaphore(%arg12 : memref<!tpu.dma_semaphore, #tpu.memory_space<semaphore_mem>>) src(%arg8 : memref<64x128xf32, #tpu.memory_space<vmem>>) dst(%dma_wait3A_111 : memref<64x128xf32, #tpu.memory_space<hbm>>)
      } else {
      }
      %scan3A_53 = arith.constant 0 : i32
      %scan3A_54 = arith.constant 0 : i32
      %scan3A_55 = arith.constant 16 : i32
      %scan3A_56 = arith.addi %scan3A_54, %scan3A_55 : i32
      %scan3A_57 = arith.constant 1 : i32
      scf.for %scan3A_103 = %scan3A_54 to %scan3A_56 step %scan3A_57  : i32 {
        %add3A_104 = arith.constant 0 : i32
        %add3A_105 = arith.addi %scan3A_103, %add3A_104 : i32
        %mul3A_106 = arith.constant 2 : i32
        %mul3A_107 = arith.muli %mul3A_106, %scan3A_103 : i32
        %add3A_108 = arith.constant 0 : i32
        %add3A_109 = arith.addi %mul3A_107, %add3A_108 : i32
        %get3A = arith.index_cast %add3A_109 : i32 to index
        %get3A_110 = arith.constant 0 : index
        %get3A_111 = tpu.vector_load %arg6[%get3A, %get3A_110] {strides = array<i32>} : memref<128x64xf32, #tpu.memory_space<vmem>>, vector<1x16xf32>,
        %get3A_112 = vector.shape_cast %get3A_111 : vector<1x16xf32> to vector<16xf32>
        %mul3A_113 = arith.constant 8.000000e+00 : f32
        %mul3A_114 = vector.broadcast %mul3A_113 : f32 to vector<16xf32>
        %mul3A_115 = arith.mulf %get3A_112, %mul3A_114 : vector<16xf32>
        %swap3A = arith.index_cast %add3A_105 : i32 to index
        %swap3A_116 = arith.constant 0 : index
        %swap3A_117 = tpu.vector_load %arg8[%swap3A, %swap3A_116] {strides = array<i32>} : memref<64x128xf32, #tpu.memory_space<vmem>>, vector<1x16xf32>,
        %swap3A_118 = vector.shape_cast %swap3A_117 : vector<1x16xf32> to vector<16xf32>
        %swap3A_119 = vector.shape_cast %mul3A_115 : vector<16xf32> to vector<1x16xf32>
        tpu.vector_store %arg8[%swap3A, %swap3A_116], %swap3A_119 {strides = array<i32>} : memref<64x128xf32, #tpu.memory_space<vmem>>, vector<1x16xf32>,
        %mul3A_120 = arith.constant 2 : i32
        %mul3A_121 = arith.muli %mul3A_120, %scan3A_103 : i32
        %add3A_122 = arith.constant 0 : i32
        %add3A_123 = arith.addi %mul3A_121, %add3A_122 : i32
        %add3A_124 = arith.constant 1 : i32
        %add3A_125 = arith.addi %add3A_123, %add3A_124 : i32
        %get3A_126 = arith.index_cast %add3A_125 : i32 to index
        %get3A_127 = arith.constant 0 : index
        %get3A_128 = tpu.vector_load %arg6[%get3A_126, %get3A_127] {strides = array<i32>} : memref<128x64xf32, #tpu.memory_space<vmem>>, vector<1x16xf32>,
        %get3A_129 = vector.shape_cast %get3A_128 : vector<1x16xf32> to vector<16xf32>
        %mul3A_130 = arith.constant 8.000000e+00 : f32
        %mul3A_131 = vector.broadcast %mul3A_130 : f32 to vector<16xf32>
        %mul3A_132 = arith.mulf %get3A_129, %mul3A_131 : vector<16xf32>
        %swap3A_133 = arith.index_cast %add3A_105 : i32 to index
        %swap3A_134 = arith.constant 64 : index
        %swap3A_135 = tpu.vector_load %arg8[%swap3A_133, %swap3A_134] {strides = array<i32>} : memref<64x128xf32, #tpu.memory_space<vmem>>, vector<1x16xf32>,
        %swap3A_136 = vector.shape_cast %swap3A_135 : vector<1x16xf32> to vector<16xf32>
        %swap3A_137 = vector.shape_cast %mul3A_132 : vector<16xf32> to vector<1x16xf32>
        tpu.vector_store %arg8[%swap3A_133, %swap3A_134], %swap3A_137 {strides = array<i32>} : memref<64x128xf32, #tpu.memory_space<vmem>>, vector<1x16xf32>,
        %mul3A_138 = arith.constant 2 : i32
        %mul3A_139 = arith.muli %mul3A_138, %scan3A_103 : i32
        %add3A_140 = arith.constant 0 : i32
        %add3A_141 = arith.addi %mul3A_139, %add3A_140 : i32
        %get3A_142 = arith.index_cast %add3A_141 : i32 to index
        %get3A_143 = arith.constant 16 : index
        %get3A_144 = tpu.vector_load %arg6[%get3A_142, %get3A_143] {strides = array<i32>} : memref<128x64xf32, #tpu.memory_space<vmem>>, vector<1x16xf32>,
        %get3A_145 = vector.shape_cast %get3A_144 : vector<1x16xf32> to vector<16xf32>
        %mul3A_146 = arith.constant 8.000000e+00 : f32
        %mul3A_147 = vector.broadcast %mul3A_146 : f32 to vector<16xf32>
        %mul3A_148 = arith.mulf %get3A_145, %mul3A_147 : vector<16xf32>
        %swap3A_149 = arith.index_cast %add3A_105 : i32 to index
        %swap3A_150 = arith.constant 16 : index
        %swap3A_151 = tpu.vector_load %arg8[%swap3A_149, %swap3A_150] {strides = array<i32>} : memref<64x128xf32, #tpu.memory_space<vmem>>, vector<1x16xf32>,
        %swap3A_152 = vector.shape_cast %swap3A_151 : vector<1x16xf32> to vector<16xf32>
        %swap3A_153 = vector.shape_cast %mul3A_148 : vector<16xf32> to vector<1x16xf32>
        tpu.vector_store %arg8[%swap3A_149, %swap3A_150], %swap3A_153 {strides = array<i32>} : memref<64x128xf32, #tpu.memory_space<vmem>>, vector<1x16xf32>,
        %mul3A_154 = arith.constant 2 : i32
        %mul3A_155 = arith.muli %mul3A_154, %scan3A_103 : i32
        %add3A_156 = arith.constant 0 : i32
        %add3A_157 = arith.addi %mul3A_155, %add3A_156 : i32
        %add3A_158 = arith.constant 1 : i32
        %add3A_159 = arith.addi %add3A_157, %add3A_158 : i32
        %get3A_160 = arith.index_cast %add3A_159 : i32 to index
        %get3A_161 = arith.constant 16 : index
        %get3A_162 = tpu.vector_load %arg6[%get3A_160, %get3A_161] {strides = array<i32>} : memref<128x64xf32, #tpu.memory_space<vmem>>, vector<1x16xf32>,
        %get3A_163 = vector.shape_cast %get3A_162 : vector<1x16xf32> to vector<16xf32>
        %mul3A_164 = arith.constant 8.000000e+00 : f32
        %mul3A_165 = vector.broadcast %mul3A_164 : f32 to vector<16xf32>
        %mul3A_166 = arith.mulf %get3A_163, %mul3A_165 : vector<16xf32>
        %swap3A_167 = arith.index_cast %add3A_105 : i32 to index
        %swap3A_168 = arith.constant 80 : index
        %swap3A_169 = tpu.vector_load %arg8[%swap3A_167, %swap3A_168] {strides = array<i32>} : memref<64x128xf32, #tpu.memory_space<vmem>>, vector<1x16xf32>,
        %swap3A_170 = vector.shape_cast %swap3A_169 : vector<1x16xf32> to vector<16xf32>
        %swap3A_171 = vector.shape_cast %mul3A_166 : vector<16xf32> to vector<1x16xf32>
        tpu.vector_store %arg8[%swap3A_167, %swap3A_168], %swap3A_171 {strides = array<i32>} : memref<64x128xf32, #tpu.memory_space<vmem>>, vector<1x16xf32>,
        %mul3A_172 = arith.constant 2 : i32
        %mul3A_173 = arith.muli %mul3A_172, %scan3A_103 : i32
        %add3A_174 = arith.constant 0 : i32
        %add3A_175 = arith.addi %mul3A_173, %add3A_174 : i32
        %get3A_176 = arith.index_cast %add3A_175 : i32 to index
        %get3A_177 = arith.constant 32 : index
        %get3A_178 = tpu.vector_load %arg6[%get3A_176, %get3A_177] {strides = array<i32>} : memref<128x64xf32, #tpu.memory_space<vmem>>, vector<1x16xf32>,
        %get3A_179 = vector.shape_cast %get3A_178 : vector<1x16xf32> to vector<16xf32>
        %mul3A_180 = arith.constant 8.000000e+00 : f32
        %mul3A_181 = vector.broadcast %mul3A_180 : f32 to vector<16xf32>
        %mul3A_182 = arith.mulf %get3A_179, %mul3A_181 : vector<16xf32>
        %swap3A_183 = arith.index_cast %add3A_105 : i32 to index
        %swap3A_184 = arith.constant 32 : index
        %swap3A_185 = tpu.vector_load %arg8[%swap3A_183, %swap3A_184] {strides = array<i32>} : memref<64x128xf32, #tpu.memory_space<vmem>>, vector<1x16xf32>,
        %swap3A_186 = vector.shape_cast %swap3A_185 : vector<1x16xf32> to vector<16xf32>
        %swap3A_187 = vector.shape_cast %mul3A_182 : vector<16xf32> to vector<1x16xf32>
        tpu.vector_store %arg8[%swap3A_183, %swap3A_184], %swap3A_187 {strides = array<i32>} : memref<64x128xf32, #tpu.memory_space<vmem>>, vector<1x16xf32>,
        %mul3A_188 = arith.constant 2 : i32
        %mul3A_189 = arith.muli %mul3A_188, %scan3A_103 : i32
        %add3A_190 = arith.constant 0 : i32
        %add3A_191 = arith.addi %mul3A_189, %add3A_190 : i32
        %add3A_192 = arith.constant 1 : i32
        %add3A_193 = arith.addi %add3A_191, %add3A_192 : i32
        %get3A_194 = arith.index_cast %add3A_193 : i32 to index
        %get3A_195 = arith.constant 32 : index
        %get3A_196 = tpu.vector_load %arg6[%get3A_194, %get3A_195] {strides = array<i32>} : memref<128x64xf32, #tpu.memory_space<vmem>>, vector<1x16xf32>,
        %get3A_197 = vector.shape_cast %get3A_196 : vector<1x16xf32> to vector<16xf32>
        %mul3A_198 = arith.constant 8.000000e+00 : f32
        %mul3A_199 = vector.broadcast %mul3A_198 : f32 to vector<16xf32>
        %mul3A_200 = arith.mulf %get3A_197, %mul3A_199 : vector<16xf32>
        %swap3A_201 = arith.index_cast %add3A_105 : i32 to index
        %swap3A_202 = arith.constant 96 : index
        %swap3A_203 = tpu.vector_load %arg8[%swap3A_201, %swap3A_202] {strides = array<i32>} : memref<64x128xf32, #tpu.memory_space<vmem>>, vector<1x16xf32>,
        %swap3A_204 = vector.shape_cast %swap3A_203 : vector<1x16xf32> to vector<16xf32>
        %swap3A_205 = vector.shape_cast %mul3A_200 : vector<16xf32> to vector<1x16xf32>
        tpu.vector_store %arg8[%swap3A_201, %swap3A_202], %swap3A_205 {strides = array<i32>} : memref<64x128xf32, #tpu.memory_space<vmem>>, vector<1x16xf32>,
        %mul3A_206 = arith.constant 2 : i32
        %mul3A_207 = arith.muli %mul3A_206, %scan3A_103 : i32
        %add3A_208 = arith.constant 0 : i32
        %add3A_209 = arith.addi %mul3A_207, %add3A_208 : i32
        %get3A_210 = arith.index_cast %add3A_209 : i32 to index
        %get3A_211 = arith.constant 48 : index
        %get3A_212 = tpu.vector_load %arg6[%get3A_210, %get3A_211] {strides = array<i32>} : memref<128x64xf32, #tpu.memory_space<vmem>>, vector<1x16xf32>,
        %get3A_213 = vector.shape_cast %get3A_212 : vector<1x16xf32> to vector<16xf32>
        %mul3A_214 = arith.constant 8.000000e+00 : f32
        %mul3A_215 = vector.broadcast %mul3A_214 : f32 to vector<16xf32>
        %mul3A_216 = arith.mulf %get3A_213, %mul3A_215 : vector<16xf32>
        %swap3A_217 = arith.index_cast %add3A_105 : i32 to index
        %swap3A_218 = arith.constant 48 : index
        %swap3A_219 = tpu.vector_load %arg8[%swap3A_217, %swap3A_218] {strides = array<i32>} : memref<64x128xf32, #tpu.memory_space<vmem>>, vector<1x16xf32>,
        %swap3A_220 = vector.shape_cast %swap3A_219 : vector<1x16xf32> to vector<16xf32>
        %swap3A_221 = vector.shape_cast %mul3A_216 : vector<16xf32> to vector<1x16xf32>
        tpu.vector_store %arg8[%swap3A_217, %swap3A_218], %swap3A_221 {strides = array<i32>} : memref<64x128xf32, #tpu.memory_space<vmem>>, vector<1x16xf32>,
        %mul3A_222 = arith.constant 2 : i32
        %mul3A_223 = arith.muli %mul3A_222, %scan3A_103 : i32
        %add3A_224 = arith.constant 0 : i32
        %add3A_225 = arith.addi %mul3A_223, %add3A_224 : i32
        %add3A_226 = arith.constant 1 : i32
        %add3A_227 = arith.addi %add3A_225, %add3A_226 : i32
        %get3A_228 = arith.index_cast %add3A_227 : i32 to index
        %get3A_229 = arith.constant 48 : index
        %get3A_230 = tpu.vector_load %arg6[%get3A_228, %get3A_229] {strides = array<i32>} : memref<128x64xf32, #tpu.memory_space<vmem>>, vector<1x16xf32>,
        %get3A_231 = vector.shape_cast %get3A_230 : vector<1x16xf32> to vector<16xf32>
        %mul3A_232 = arith.constant 8.000000e+00 : f32
        %mul3A_233 = vector.broadcast %mul3A_232 : f32 to vector<16xf32>
        %mul3A_234 = arith.mulf %get3A_231, %mul3A_233 : vector<16xf32>
        %swap3A_235 = arith.index_cast %add3A_105 : i32 to index
        %swap3A_236 = arith.constant 112 : index
        %swap3A_237 = tpu.vector_load %arg8[%swap3A_235, %swap3A_236] {strides = array<i32>} : memref<64x128xf32, #tpu.memory_space<vmem>>, vector<1x16xf32>,
        %swap3A_238 = vector.shape_cast %swap3A_237 : vector<1x16xf32> to vector<16xf32>
        %swap3A_239 = vector.shape_cast %mul3A_234 : vector<16xf32> to vector<1x16xf32>
        tpu.vector_store %arg8[%swap3A_235, %swap3A_236], %swap3A_239 {strides = array<i32>} : memref<64x128xf32, #tpu.memory_space<vmem>>, vector<1x16xf32>,
        %add3A_240 = arith.constant 16 : i32
        %add3A_241 = arith.addi %scan3A_103, %add3A_240 : i32
        %mul3A_242 = arith.constant 2 : i32
        %mul3A_243 = arith.muli %mul3A_242, %scan3A_103 : i32
        %add3A_244 = arith.constant 32 : i32
        %add3A_245 = arith.addi %mul3A_243, %add3A_244 : i32
        %get3A_246 = arith.index_cast %add3A_245 : i32 to index
        %get3A_247 = arith.constant 0 : index
        %get3A_248 = tpu.vector_load %arg6[%get3A_246, %get3A_247] {strides = array<i32>} : memref<128x64xf32, #tpu.memory_space<vmem>>, vector<1x16xf32>,
        %get3A_249 = vector.shape_cast %get3A_248 : vector<1x16xf32> to vector<16xf32>
        %mul3A_250 = arith.constant 8.000000e+00 : f32
        %mul3A_251 = vector.broadcast %mul3A_250 : f32 to vector<16xf32>
        %mul3A_252 = arith.mulf %get3A_249, %mul3A_251 : vector<16xf32>
        %swap3A_253 = arith.index_cast %add3A_241 : i32 to index
        %swap3A_254 = arith.constant 0 : index
        %swap3A_255 = tpu.vector_load %arg8[%swap3A_253, %swap3A_254] {strides = array<i32>} : memref<64x128xf32, #tpu.memory_space<vmem>>, vector<1x16xf32>,
        %swap3A_256 = vector.shape_cast %swap3A_255 : vector<1x16xf32> to vector<16xf32>
        %swap3A_257 = vector.shape_cast %mul3A_252 : vector<16xf32> to vector<1x16xf32>
        tpu.vector_store %arg8[%swap3A_253, %swap3A_254], %swap3A_257 {strides = array<i32>} : memref<64x128xf32, #tpu.memory_space<vmem>>, vector<1x16xf32>,
        %mul3A_258 = arith.constant 2 : i32
        %mul3A_259 = arith.muli %mul3A_258, %scan3A_103 : i32
        %add3A_260 = arith.constant 32 : i32
        %add3A_261 = arith.addi %mul3A_259, %add3A_260 : i32
        %add3A_262 = arith.constant 1 : i32
        %add3A_263 = arith.addi %add3A_261, %add3A_262 : i32
        %get3A_264 = arith.index_cast %add3A_263 : i32 to index
        %get3A_265 = arith.constant 0 : index
        %get3A_266 = tpu.vector_load %arg6[%get3A_264, %get3A_265] {strides = array<i32>} : memref<128x64xf32, #tpu.memory_space<vmem>>, vector<1x16xf32>,
        %get3A_267 = vector.shape_cast %get3A_266 : vector<1x16xf32> to vector<16xf32>
        %mul3A_268 = arith.constant 8.000000e+00 : f32
        %mul3A_269 = vector.broadcast %mul3A_268 : f32 to vector<16xf32>
        %mul3A_270 = arith.mulf %get3A_267, %mul3A_269 : vector<16xf32>
        %swap3A_271 = arith.index_cast %add3A_241 : i32 to index
        %swap3A_272 = arith.constant 64 : index
        %swap3A_273 = tpu.vector_load %arg8[%swap3A_271, %swap3A_272] {strides = array<i32>} : memref<64x128xf32, #tpu.memory_space<vmem>>, vector<1x16xf32>,
        %swap3A_274 = vector.shape_cast %swap3A_273 : vector<1x16xf32> to vector<16xf32>
        %swap3A_275 = vector.shape_cast %mul3A_270 : vector<16xf32> to vector<1x16xf32>
        tpu.vector_store %arg8[%swap3A_271, %swap3A_272], %swap3A_275 {strides = array<i32>} : memref<64x128xf32, #tpu.memory_space<vmem>>, vector<1x16xf32>,
        %mul3A_276 = arith.constant 2 : i32
        %mul3A_277 = arith.muli %mul3A_276, %scan3A_103 : i32
        %add3A_278 = arith.constant 32 : i32
        %add3A_279 = arith.addi %mul3A_277, %add3A_278 : i32
        %get3A_280 = arith.index_cast %add3A_279 : i32 to index
        %get3A_281 = arith.constant 16 : index
        %get3A_282 = tpu.vector_load %arg6[%get3A_280, %get3A_281] {strides = array<i32>} : memref<128x64xf32, #tpu.memory_space<vmem>>, vector<1x16xf32>,
        %get3A_283 = vector.shape_cast %get3A_282 : vector<1x16xf32> to vector<16xf32>
        %mul3A_284 = arith.constant 8.000000e+00 : f32
        %mul3A_285 = vector.broadcast %mul3A_284 : f32 to vector<16xf32>
        %mul3A_286 = arith.mulf %get3A_283, %mul3A_285 : vector<16xf32>
        %swap3A_287 = arith.index_cast %add3A_241 : i32 to index
        %swap3A_288 = arith.constant 16 : index
        %swap3A_289 = tpu.vector_load %arg8[%swap3A_287, %swap3A_288] {strides = array<i32>} : memref<64x128xf32, #tpu.memory_space<vmem>>, vector<1x16xf32>,
        %swap3A_290 = vector.shape_cast %swap3A_289 : vector<1x16xf32> to vector<16xf32>
        %swap3A_291 = vector.shape_cast %mul3A_286 : vector<16xf32> to vector<1x16xf32>
        tpu.vector_store %arg8[%swap3A_287, %swap3A_288], %swap3A_291 {strides = array<i32>} : memref<64x128xf32, #tpu.memory_space<vmem>>, vector<1x16xf32>,
        %mul3A_292 = arith.constant 2 : i32
        %mul3A_293 = arith.muli %mul3A_292, %scan3A_103 : i32
        %add3A_294 = arith.constant 32 : i32
        %add3A_295 = arith.addi %mul3A_293, %add3A_294 : i32
        %add3A_296 = arith.constant 1 : i32
        %add3A_297 = arith.addi %add3A_295, %add3A_296 : i32
        %get3A_298 = arith.index_cast %add3A_297 : i32 to index
        %get3A_299 = arith.constant 16 : index
        %get3A_300 = tpu.vector_load %arg6[%get3A_298, %get3A_299] {strides = array<i32>} : memref<128x64xf32, #tpu.memory_space<vmem>>, vector<1x16xf32>,
        %get3A_301 = vector.shape_cast %get3A_300 : vector<1x16xf32> to vector<16xf32>
        %mul3A_302 = arith.constant 8.000000e+00 : f32
        %mul3A_303 = vector.broadcast %mul3A_302 : f32 to vector<16xf32>
        %mul3A_304 = arith.mulf %get3A_301, %mul3A_303 : vector<16xf32>
        %swap3A_305 = arith.index_cast %add3A_241 : i32 to index
        %swap3A_306 = arith.constant 80 : index
        %swap3A_307 = tpu.vector_load %arg8[%swap3A_305, %swap3A_306] {strides = array<i32>} : memref<64x128xf32, #tpu.memory_space<vmem>>, vector<1x16xf32>,
        %swap3A_308 = vector.shape_cast %swap3A_307 : vector<1x16xf32> to vector<16xf32>
        %swap3A_309 = vector.shape_cast %mul3A_304 : vector<16xf32> to vector<1x16xf32>
        tpu.vector_store %arg8[%swap3A_305, %swap3A_306], %swap3A_309 {strides = array<i32>} : memref<64x128xf32, #tpu.memory_space<vmem>>, vector<1x16xf32>,
        %mul3A_310 = arith.constant 2 : i32
        %mul3A_311 = arith.muli %mul3A_310, %scan3A_103 : i32
        %add3A_312 = arith.constant 32 : i32
        %add3A_313 = arith.addi %mul3A_311, %add3A_312 : i32
        %get3A_314 = arith.index_cast %add3A_313 : i32 to index
        %get3A_315 = arith.constant 32 : index
        %get3A_316 = tpu.vector_load %arg6[%get3A_314, %get3A_315] {strides = array<i32>} : memref<128x64xf32, #tpu.memory_space<vmem>>, vector<1x16xf32>,
        %get3A_317 = vector.shape_cast %get3A_316 : vector<1x16xf32> to vector<16xf32>
        %mul3A_318 = arith.constant 8.000000e+00 : f32
        %mul3A_319 = vector.broadcast %mul3A_318 : f32 to vector<16xf32>
        %mul3A_320 = arith.mulf %get3A_317, %mul3A_319 : vector<16xf32>
        %swap3A_321 = arith.index_cast %add3A_241 : i32 to index
        %swap3A_322 = arith.constant 32 : index
        %swap3A_323 = tpu.vector_load %arg8[%swap3A_321, %swap3A_322] {strides = array<i32>} : memref<64x128xf32, #tpu.memory_space<vmem>>, vector<1x16xf32>,
        %swap3A_324 = vector.shape_cast %swap3A_323 : vector<1x16xf32> to vector<16xf32>
        %swap3A_325 = vector.shape_cast %mul3A_320 : vector<16xf32> to vector<1x16xf32>
        tpu.vector_store %arg8[%swap3A_321, %swap3A_322], %swap3A_325 {strides = array<i32>} : memref<64x128xf32, #tpu.memory_space<vmem>>, vector<1x16xf32>,
        %mul3A_326 = arith.constant 2 : i32
        %mul3A_327 = arith.muli %mul3A_326, %scan3A_103 : i32
        %add3A_328 = arith.constant 32 : i32
        %add3A_329 = arith.addi %mul3A_327, %add3A_328 : i32
        %add3A_330 = arith.constant 1 : i32
        %add3A_331 = arith.addi %add3A_329, %add3A_330 : i32
        %get3A_332 = arith.index_cast %add3A_331 : i32 to index
        %get3A_333 = arith.constant 32 : index
        %get3A_334 = tpu.vector_load %arg6[%get3A_332, %get3A_333] {strides = array<i32>} : memref<128x64xf32, #tpu.memory_space<vmem>>, vector<1x16xf32>,
        %get3A_335 = vector.shape_cast %get3A_334 : vector<1x16xf32> to vector<16xf32>
        %mul3A_336 = arith.constant 8.000000e+00 : f32
        %mul3A_337 = vector.broadcast %mul3A_336 : f32 to vector<16xf32>
        %mul3A_338 = arith.mulf %get3A_335, %mul3A_337 : vector<16xf32>
        %swap3A_339 = arith.index_cast %add3A_241 : i32 to index
        %swap3A_340 = arith.constant 96 : index
        %swap3A_341 = tpu.vector_load %arg8[%swap3A_339, %swap3A_340] {strides = array<i32>} : memref<64x128xf32, #tpu.memory_space<vmem>>, vector<1x16xf32>,
        %swap3A_342 = vector.shape_cast %swap3A_341 : vector<1x16xf32> to vector<16xf32>
        %swap3A_343 = vector.shape_cast %mul3A_338 : vector<16xf32> to vector<1x16xf32>
        tpu.vector_store %arg8[%swap3A_339, %swap3A_340], %swap3A_343 {strides = array<i32>} : memref<64x128xf32, #tpu.memory_space<vmem>>, vector<1x16xf32>,
        %mul3A_344 = arith.constant 2 : i32
        %mul3A_345 = arith.muli %mul3A_344, %scan3A_103 : i32
        %add3A_346 = arith.constant 32 : i32
        %add3A_347 = arith.addi %mul3A_345, %add3A_346 : i32
        %get3A_348 = arith.index_cast %add3A_347 : i32 to index
        %get3A_349 = arith.constant 48 : index
        %get3A_350 = tpu.vector_load %arg6[%get3A_348, %get3A_349] {strides = array<i32>} : memref<128x64xf32, #tpu.memory_space<vmem>>, vector<1x16xf32>,
        %get3A_351 = vector.shape_cast %get3A_350 : vector<1x16xf32> to vector<16xf32>
        %mul3A_352 = arith.constant 8.000000e+00 : f32
        %mul3A_353 = vector.broadcast %mul3A_352 : f32 to vector<16xf32>
        %mul3A_354 = arith.mulf %get3A_351, %mul3A_353 : vector<16xf32>
        %swap3A_355 = arith.index_cast %add3A_241 : i32 to index
        %swap3A_356 = arith.constant 48 : index
        %swap3A_357 = tpu.vector_load %arg8[%swap3A_355, %swap3A_356] {strides = array<i32>} : memref<64x128xf32, #tpu.memory_space<vmem>>, vector<1x16xf32>,
        %swap3A_358 = vector.shape_cast %swap3A_357 : vector<1x16xf32> to vector<16xf32>
        %swap3A_359 = vector.shape_cast %mul3A_354 : vector<16xf32> to vector<1x16xf32>
        tpu.vector_store %arg8[%swap3A_355, %swap3A_356], %swap3A_359 {strides = array<i32>} : memref<64x128xf32, #tpu.memory_space<vmem>>, vector<1x16xf32>,
        %mul3A_360 = arith.constant 2 : i32
        %mul3A_361 = arith.muli %mul3A_360, %scan3A_103 : i32
        %add3A_362 = arith.constant 32 : i32
        %add3A_363 = arith.addi %mul3A_361, %add3A_362 : i32
        %add3A_364 = arith.constant 1 : i32
        %add3A_365 = arith.addi %add3A_363, %add3A_364 : i32
        %get3A_366 = arith.index_cast %add3A_365 : i32 to index
        %get3A_367 = arith.constant 48 : index
        %get3A_368 = tpu.vector_load %arg6[%get3A_366, %get3A_367] {strides = array<i32>} : memref<128x64xf32, #tpu.memory_space<vmem>>, vector<1x16xf32>,
        %get3A_369 = vector.shape_cast %get3A_368 : vector<1x16xf32> to vector<16xf32>
        %mul3A_370 = arith.constant 8.000000e+00 : f32
        %mul3A_371 = vector.broadcast %mul3A_370 : f32 to vector<16xf32>
        %mul3A_372 = arith.mulf %get3A_369, %mul3A_371 : vector<16xf32>
        %swap3A_373 = arith.index_cast %add3A_241 : i32 to index
        %swap3A_374 = arith.constant 112 : index
        %swap3A_375 = tpu.vector_load %arg8[%swap3A_373, %swap3A_374] {strides = array<i32>} : memref<64x128xf32, #tpu.memory_space<vmem>>, vector<1x16xf32>,
        %swap3A_376 = vector.shape_cast %swap3A_375 : vector<1x16xf32> to vector<16xf32>
        %swap3A_377 = vector.shape_cast %mul3A_372 : vector<16xf32> to vector<1x16xf32>
        tpu.vector_store %arg8[%swap3A_373, %swap3A_374], %swap3A_377 {strides = array<i32>} : memref<64x128xf32, #tpu.memory_space<vmem>>, vector<1x16xf32>,
        %add3A_378 = arith.constant 32 : i32
        %add3A_379 = arith.addi %scan3A_103, %add3A_378 : i32
        %mul3A_380 = arith.constant 2 : i32
        %mul3A_381 = arith.muli %mul3A_380, %scan3A_103 : i32
        %add3A_382 = arith.constant 64 : i32
        %add3A_383 = arith.addi %mul3A_381, %add3A_382 : i32
        %get3A_384 = arith.index_cast %add3A_383 : i32 to index
        %get3A_385 = arith.constant 0 : index
        %get3A_386 = tpu.vector_load %arg6[%get3A_384, %get3A_385] {strides = array<i32>} : memref<128x64xf32, #tpu.memory_space<vmem>>, vector<1x16xf32>,
        %get3A_387 = vector.shape_cast %get3A_386 : vector<1x16xf32> to vector<16xf32>
        %mul3A_388 = arith.constant 8.000000e+00 : f32
        %mul3A_389 = vector.broadcast %mul3A_388 : f32 to vector<16xf32>
        %mul3A_390 = arith.mulf %get3A_387, %mul3A_389 : vector<16xf32>
        %swap3A_391 = arith.index_cast %add3A_379 : i32 to index
        %swap3A_392 = arith.constant 0 : index
        %swap3A_393 = tpu.vector_load %arg8[%swap3A_391, %swap3A_392] {strides = array<i32>} : memref<64x128xf32, #tpu.memory_space<vmem>>, vector<1x16xf32>,
        %swap3A_394 = vector.shape_cast %swap3A_393 : vector<1x16xf32> to vector<16xf32>
        %swap3A_395 = vector.shape_cast %mul3A_390 : vector<16xf32> to vector<1x16xf32>
        tpu.vector_store %arg8[%swap3A_391, %swap3A_392], %swap3A_395 {strides = array<i32>} : memref<64x128xf32, #tpu.memory_space<vmem>>, vector<1x16xf32>,
        %mul3A_396 = arith.constant 2 : i32
        %mul3A_397 = arith.muli %mul3A_396, %scan3A_103 : i32
        %add3A_398 = arith.constant 64 : i32
        %add3A_399 = arith.addi %mul3A_397, %add3A_398 : i32
        %add3A_400 = arith.constant 1 : i32
        %add3A_401 = arith.addi %add3A_399, %add3A_400 : i32
        %get3A_402 = arith.index_cast %add3A_401 : i32 to index
        %get3A_403 = arith.constant 0 : index
        %get3A_404 = tpu.vector_load %arg6[%get3A_402, %get3A_403] {strides = array<i32>} : memref<128x64xf32, #tpu.memory_space<vmem>>, vector<1x16xf32>,
        %get3A_405 = vector.shape_cast %get3A_404 : vector<1x16xf32> to vector<16xf32>
        %mul3A_406 = arith.constant 8.000000e+00 : f32
        %mul3A_407 = vector.broadcast %mul3A_406 : f32 to vector<16xf32>
        %mul3A_408 = arith.mulf %get3A_405, %mul3A_407 : vector<16xf32>
        %swap3A_409 = arith.index_cast %add3A_379 : i32 to index
        %swap3A_410 = arith.constant 64 : index
        %swap3A_411 = tpu.vector_load %arg8[%swap3A_409, %swap3A_410] {strides = array<i32>} : memref<64x128xf32, #tpu.memory_space<vmem>>, vector<1x16xf32>,
        %swap3A_412 = vector.shape_cast %swap3A_411 : vector<1x16xf32> to vector<16xf32>
        %swap3A_413 = vector.shape_cast %mul3A_408 : vector<16xf32> to vector<1x16xf32>
        tpu.vector_store %arg8[%swap3A_409, %swap3A_410], %swap3A_413 {strides = array<i32>} : memref<64x128xf32, #tpu.memory_space<vmem>>, vector<1x16xf32>,
        %mul3A_414 = arith.constant 2 : i32
        %mul3A_415 = arith.muli %mul3A_414, %scan3A_103 : i32
        %add3A_416 = arith.constant 64 : i32
        %add3A_417 = arith.addi %mul3A_415, %add3A_416 : i32
        %get3A_418 = arith.index_cast %add3A_417 : i32 to index
        %get3A_419 = arith.constant 16 : index
        %get3A_420 = tpu.vector_load %arg6[%get3A_418, %get3A_419] {strides = array<i32>} : memref<128x64xf32, #tpu.memory_space<vmem>>, vector<1x16xf32>,
        %get3A_421 = vector.shape_cast %get3A_420 : vector<1x16xf32> to vector<16xf32>
        %mul3A_422 = arith.constant 8.000000e+00 : f32
        %mul3A_423 = vector.broadcast %mul3A_422 : f32 to vector<16xf32>
        %mul3A_424 = arith.mulf %get3A_421, %mul3A_423 : vector<16xf32>
        %swap3A_425 = arith.index_cast %add3A_379 : i32 to index
        %swap3A_426 = arith.constant 16 : index
        %swap3A_427 = tpu.vector_load %arg8[%swap3A_425, %swap3A_426] {strides = array<i32>} : memref<64x128xf32, #tpu.memory_space<vmem>>, vector<1x16xf32>,
        %swap3A_428 = vector.shape_cast %swap3A_427 : vector<1x16xf32> to vector<16xf32>
        %swap3A_429 = vector.shape_cast %mul3A_424 : vector<16xf32> to vector<1x16xf32>
        tpu.vector_store %arg8[%swap3A_425, %swap3A_426], %swap3A_429 {strides = array<i32>} : memref<64x128xf32, #tpu.memory_space<vmem>>, vector<1x16xf32>,
        %mul3A_430 = arith.constant 2 : i32
        %mul3A_431 = arith.muli %mul3A_430, %scan3A_103 : i32
        %add3A_432 = arith.constant 64 : i32
        %add3A_433 = arith.addi %mul3A_431, %add3A_432 : i32
        %add3A_434 = arith.constant 1 : i32
        %add3A_435 = arith.addi %add3A_433, %add3A_434 : i32
        %get3A_436 = arith.index_cast %add3A_435 : i32 to index
        %get3A_437 = arith.constant 16 : index
        %get3A_438 = tpu.vector_load %arg6[%get3A_436, %get3A_437] {strides = array<i32>} : memref<128x64xf32, #tpu.memory_space<vmem>>, vector<1x16xf32>,
        %get3A_439 = vector.shape_cast %get3A_438 : vector<1x16xf32> to vector<16xf32>
        %mul3A_440 = arith.constant 8.000000e+00 : f32
        %mul3A_441 = vector.broadcast %mul3A_440 : f32 to vector<16xf32>
        %mul3A_442 = arith.mulf %get3A_439, %mul3A_441 : vector<16xf32>
        %swap3A_443 = arith.index_cast %add3A_379 : i32 to index
        %swap3A_444 = arith.constant 80 : index
        %swap3A_445 = tpu.vector_load %arg8[%swap3A_443, %swap3A_444] {strides = array<i32>} : memref<64x128xf32, #tpu.memory_space<vmem>>, vector<1x16xf32>,
        %swap3A_446 = vector.shape_cast %swap3A_445 : vector<1x16xf32> to vector<16xf32>
        %swap3A_447 = vector.shape_cast %mul3A_442 : vector<16xf32> to vector<1x16xf32>
        tpu.vector_store %arg8[%swap3A_443, %swap3A_444], %swap3A_447 {strides = array<i32>} : memref<64x128xf32, #tpu.memory_space<vmem>>, vector<1x16xf32>,
        %mul3A_448 = arith.constant 2 : i32
        %mul3A_449 = arith.muli %mul3A_448, %scan3A_103 : i32
        %add3A_450 = arith.constant 64 : i32
        %add3A_451 = arith.addi %mul3A_449, %add3A_450 : i32
        %get3A_452 = arith.index_cast %add3A_451 : i32 to index
        %get3A_453 = arith.constant 32 : index
        %get3A_454 = tpu.vector_load %arg6[%get3A_452, %get3A_453] {strides = array<i32>} : memref<128x64xf32, #tpu.memory_space<vmem>>, vector<1x16xf32>,
        %get3A_455 = vector.shape_cast %get3A_454 : vector<1x16xf32> to vector<16xf32>
        %mul3A_456 = arith.constant 8.000000e+00 : f32
        %mul3A_457 = vector.broadcast %mul3A_456 : f32 to vector<16xf32>
        %mul3A_458 = arith.mulf %get3A_455, %mul3A_457 : vector<16xf32>
        %swap3A_459 = arith.index_cast %add3A_379 : i32 to index
        %swap3A_460 = arith.constant 32 : index
        %swap3A_461 = tpu.vector_load %arg8[%swap3A_459, %swap3A_460] {strides = array<i32>} : memref<64x128xf32, #tpu.memory_space<vmem>>, vector<1x16xf32>,
        %swap3A_462 = vector.shape_cast %swap3A_461 : vector<1x16xf32> to vector<16xf32>
        %swap3A_463 = vector.shape_cast %mul3A_458 : vector<16xf32> to vector<1x16xf32>
        tpu.vector_store %arg8[%swap3A_459, %swap3A_460], %swap3A_463 {strides = array<i32>} : memref<64x128xf32, #tpu.memory_space<vmem>>, vector<1x16xf32>,
        %mul3A_464 = arith.constant 2 : i32
        %mul3A_465 = arith.muli %mul3A_464, %scan3A_103 : i32
        %add3A_466 = arith.constant 64 : i32
        %add3A_467 = arith.addi %mul3A_465, %add3A_466 : i32
        %add3A_468 = arith.constant 1 : i32
        %add3A_469 = arith.addi %add3A_467, %add3A_468 : i32
        %get3A_470 = arith.index_cast %add3A_469 : i32 to index
        %get3A_471 = arith.constant 32 : index
        %get3A_472 = tpu.vector_load %arg6[%get3A_470, %get3A_471] {strides = array<i32>} : memref<128x64xf32, #tpu.memory_space<vmem>>, vector<1x16xf32>,
        %get3A_473 = vector.shape_cast %get3A_472 : vector<1x16xf32> to vector<16xf32>
        %mul3A_474 = arith.constant 8.000000e+00 : f32
        %mul3A_475 = vector.broadcast %mul3A_474 : f32 to vector<16xf32>
        %mul3A_476 = arith.mulf %get3A_473, %mul3A_475 : vector<16xf32>
        %swap3A_477 = arith.index_cast %add3A_379 : i32 to index
        %swap3A_478 = arith.constant 96 : index
        %swap3A_479 = tpu.vector_load %arg8[%swap3A_477, %swap3A_478] {strides = array<i32>} : memref<64x128xf32, #tpu.memory_space<vmem>>, vector<1x16xf32>,
        %swap3A_480 = vector.shape_cast %swap3A_479 : vector<1x16xf32> to vector<16xf32>
        %swap3A_481 = vector.shape_cast %mul3A_476 : vector<16xf32> to vector<1x16xf32>
        tpu.vector_store %arg8[%swap3A_477, %swap3A_478], %swap3A_481 {strides = array<i32>} : memref<64x128xf32, #tpu.memory_space<vmem>>, vector<1x16xf32>,
        %mul3A_482 = arith.constant 2 : i32
        %mul3A_483 = arith.muli %mul3A_482, %scan3A_103 : i32
        %add3A_484 = arith.constant 64 : i32
        %add3A_485 = arith.addi %mul3A_483, %add3A_484 : i32
        %get3A_486 = arith.index_cast %add3A_485 : i32 to index
        %get3A_487 = arith.constant 48 : index
        %get3A_488 = tpu.vector_load %arg6[%get3A_486, %get3A_487] {strides = array<i32>} : memref<128x64xf32, #tpu.memory_space<vmem>>, vector<1x16xf32>,
        %get3A_489 = vector.shape_cast %get3A_488 : vector<1x16xf32> to vector<16xf32>
        %mul3A_490 = arith.constant 8.000000e+00 : f32
        %mul3A_491 = vector.broadcast %mul3A_490 : f32 to vector<16xf32>
        %mul3A_492 = arith.mulf %get3A_489, %mul3A_491 : vector<16xf32>
        %swap3A_493 = arith.index_cast %add3A_379 : i32 to index
        %swap3A_494 = arith.constant 48 : index
        %swap3A_495 = tpu.vector_load %arg8[%swap3A_493, %swap3A_494] {strides = array<i32>} : memref<64x128xf32, #tpu.memory_space<vmem>>, vector<1x16xf32>,
        %swap3A_496 = vector.shape_cast %swap3A_495 : vector<1x16xf32> to vector<16xf32>
        %swap3A_497 = vector.shape_cast %mul3A_492 : vector<16xf32> to vector<1x16xf32>
        tpu.vector_store %arg8[%swap3A_493, %swap3A_494], %swap3A_497 {strides = array<i32>} : memref<64x128xf32, #tpu.memory_space<vmem>>, vector<1x16xf32>,
        %mul3A_498 = arith.constant 2 : i32
        %mul3A_499 = arith.muli %mul3A_498, %scan3A_103 : i32
        %add3A_500 = arith.constant 64 : i32
        %add3A_501 = arith.addi %mul3A_499, %add3A_500 : i32
        %add3A_502 = arith.constant 1 : i32
        %add3A_503 = arith.addi %add3A_501, %add3A_502 : i32
        %get3A_504 = arith.index_cast %add3A_503 : i32 to index
        %get3A_505 = arith.constant 48 : index
        %get3A_506 = tpu.vector_load %arg6[%get3A_504, %get3A_505] {strides = array<i32>} : memref<128x64xf32, #tpu.memory_space<vmem>>, vector<1x16xf32>,
        %get3A_507 = vector.shape_cast %get3A_506 : vector<1x16xf32> to vector<16xf32>
        %mul3A_508 = arith.constant 8.000000e+00 : f32
        %mul3A_509 = vector.broadcast %mul3A_508 : f32 to vector<16xf32>
        %mul3A_510 = arith.mulf %get3A_507, %mul3A_509 : vector<16xf32>
        %swap3A_511 = arith.index_cast %add3A_379 : i32 to index
        %swap3A_512 = arith.constant 112 : index
        %swap3A_513 = tpu.vector_load %arg8[%swap3A_511, %swap3A_512] {strides = array<i32>} : memref<64x128xf32, #tpu.memory_space<vmem>>, vector<1x16xf32>,
        %swap3A_514 = vector.shape_cast %swap3A_513 : vector<1x16xf32> to vector<16xf32>
        %swap3A_515 = vector.shape_cast %mul3A_510 : vector<16xf32> to vector<1x16xf32>
        tpu.vector_store %arg8[%swap3A_511, %swap3A_512], %swap3A_515 {strides = array<i32>} : memref<64x128xf32, #tpu.memory_space<vmem>>, vector<1x16xf32>,
        %add3A_516 = arith.constant 48 : i32
        %add3A_517 = arith.addi %scan3A_103, %add3A_516 : i32
        %mul3A_518 = arith.constant 2 : i32
        %mul3A_519 = arith.muli %mul3A_518, %scan3A_103 : i32
        %add3A_520 = arith.constant 96 : i32
        %add3A_521 = arith.addi %mul3A_519, %add3A_520 : i32
        %get3A_522 = arith.index_cast %add3A_521 : i32 to index
        %get3A_523 = arith.constant 0 : index
        %get3A_524 = tpu.vector_load %arg6[%get3A_522, %get3A_523] {strides = array<i32>} : memref<128x64xf32, #tpu.memory_space<vmem>>, vector<1x16xf32>,
        %get3A_525 = vector.shape_cast %get3A_524 : vector<1x16xf32> to vector<16xf32>
        %mul3A_526 = arith.constant 8.000000e+00 : f32
        %mul3A_527 = vector.broadcast %mul3A_526 : f32 to vector<16xf32>
        %mul3A_528 = arith.mulf %get3A_525, %mul3A_527 : vector<16xf32>
        %swap3A_529 = arith.index_cast %add3A_517 : i32 to index
        %swap3A_530 = arith.constant 0 : index
        %swap3A_531 = tpu.vector_load %arg8[%swap3A_529, %swap3A_530] {strides = array<i32>} : memref<64x128xf32, #tpu.memory_space<vmem>>, vector<1x16xf32>,
        %swap3A_532 = vector.shape_cast %swap3A_531 : vector<1x16xf32> to vector<16xf32>
        %swap3A_533 = vector.shape_cast %mul3A_528 : vector<16xf32> to vector<1x16xf32>
        tpu.vector_store %arg8[%swap3A_529, %swap3A_530], %swap3A_533 {strides = array<i32>} : memref<64x128xf32, #tpu.memory_space<vmem>>, vector<1x16xf32>,
        %mul3A_534 = arith.constant 2 : i32
        %mul3A_535 = arith.muli %mul3A_534, %scan3A_103 : i32
        %add3A_536 = arith.constant 96 : i32
        %add3A_537 = arith.addi %mul3A_535, %add3A_536 : i32
        %add3A_538 = arith.constant 1 : i32
        %add3A_539 = arith.addi %add3A_537, %add3A_538 : i32
        %get3A_540 = arith.index_cast %add3A_539 : i32 to index
        %get3A_541 = arith.constant 0 : index
        %get3A_542 = tpu.vector_load %arg6[%get3A_540, %get3A_541] {strides = array<i32>} : memref<128x64xf32, #tpu.memory_space<vmem>>, vector<1x16xf32>,
        %get3A_543 = vector.shape_cast %get3A_542 : vector<1x16xf32> to vector<16xf32>
        %mul3A_544 = arith.constant 8.000000e+00 : f32
        %mul3A_545 = vector.broadcast %mul3A_544 : f32 to vector<16xf32>
        %mul3A_546 = arith.mulf %get3A_543, %mul3A_545 : vector<16xf32>
        %swap3A_547 = arith.index_cast %add3A_517 : i32 to index
        %swap3A_548 = arith.constant 64 : index
        %swap3A_549 = tpu.vector_load %arg8[%swap3A_547, %swap3A_548] {strides = array<i32>} : memref<64x128xf32, #tpu.memory_space<vmem>>, vector<1x16xf32>,
        %swap3A_550 = vector.shape_cast %swap3A_549 : vector<1x16xf32> to vector<16xf32>
        %swap3A_551 = vector.shape_cast %mul3A_546 : vector<16xf32> to vector<1x16xf32>
        tpu.vector_store %arg8[%swap3A_547, %swap3A_548], %swap3A_551 {strides = array<i32>} : memref<64x128xf32, #tpu.memory_space<vmem>>, vector<1x16xf32>,
        %mul3A_552 = arith.constant 2 : i32
        %mul3A_553 = arith.muli %mul3A_552, %scan3A_103 : i32
        %add3A_554 = arith.constant 96 : i32
        %add3A_555 = arith.addi %mul3A_553, %add3A_554 : i32
        %get3A_556 = arith.index_cast %add3A_555 : i32 to index
        %get3A_557 = arith.constant 16 : index
        %get3A_558 = tpu.vector_load %arg6[%get3A_556, %get3A_557] {strides = array<i32>} : memref<128x64xf32, #tpu.memory_space<vmem>>, vector<1x16xf32>,
        %get3A_559 = vector.shape_cast %get3A_558 : vector<1x16xf32> to vector<16xf32>
        %mul3A_560 = arith.constant 8.000000e+00 : f32
        %mul3A_561 = vector.broadcast %mul3A_560 : f32 to vector<16xf32>
        %mul3A_562 = arith.mulf %get3A_559, %mul3A_561 : vector<16xf32>
        %swap3A_563 = arith.index_cast %add3A_517 : i32 to index
        %swap3A_564 = arith.constant 16 : index
        %swap3A_565 = tpu.vector_load %arg8[%swap3A_563, %swap3A_564] {strides = array<i32>} : memref<64x128xf32, #tpu.memory_space<vmem>>, vector<1x16xf32>,
        %swap3A_566 = vector.shape_cast %swap3A_565 : vector<1x16xf32> to vector<16xf32>
        %swap3A_567 = vector.shape_cast %mul3A_562 : vector<16xf32> to vector<1x16xf32>
        tpu.vector_store %arg8[%swap3A_563, %swap3A_564], %swap3A_567 {strides = array<i32>} : memref<64x128xf32, #tpu.memory_space<vmem>>, vector<1x16xf32>,
        %mul3A_568 = arith.constant 2 : i32
        %mul3A_569 = arith.muli %mul3A_568, %scan3A_103 : i32
        %add3A_570 = arith.constant 96 : i32
        %add3A_571 = arith.addi %mul3A_569, %add3A_570 : i32
        %add3A_572 = arith.constant 1 : i32
        %add3A_573 = arith.addi %add3A_571, %add3A_572 : i32
        %get3A_574 = arith.index_cast %add3A_573 : i32 to index
        %get3A_575 = arith.constant 16 : index
        %get3A_576 = tpu.vector_load %arg6[%get3A_574, %get3A_575] {strides = array<i32>} : memref<128x64xf32, #tpu.memory_space<vmem>>, vector<1x16xf32>,
        %get3A_577 = vector.shape_cast %get3A_576 : vector<1x16xf32> to vector<16xf32>
        %mul3A_578 = arith.constant 8.000000e+00 : f32
        %mul3A_579 = vector.broadcast %mul3A_578 : f32 to vector<16xf32>
        %mul3A_580 = arith.mulf %get3A_577, %mul3A_579 : vector<16xf32>
        %swap3A_581 = arith.index_cast %add3A_517 : i32 to index
        %swap3A_582 = arith.constant 80 : index
        %swap3A_583 = tpu.vector_load %arg8[%swap3A_581, %swap3A_582] {strides = array<i32>} : memref<64x128xf32, #tpu.memory_space<vmem>>, vector<1x16xf32>,
        %swap3A_584 = vector.shape_cast %swap3A_583 : vector<1x16xf32> to vector<16xf32>
        %swap3A_585 = vector.shape_cast %mul3A_580 : vector<16xf32> to vector<1x16xf32>
        tpu.vector_store %arg8[%swap3A_581, %swap3A_582], %swap3A_585 {strides = array<i32>} : memref<64x128xf32, #tpu.memory_space<vmem>>, vector<1x16xf32>,
        %mul3A_586 = arith.constant 2 : i32
        %mul3A_587 = arith.muli %mul3A_586, %scan3A_103 : i32
        %add3A_588 = arith.constant 96 : i32
        %add3A_589 = arith.addi %mul3A_587, %add3A_588 : i32
        %get3A_590 = arith.index_cast %add3A_589 : i32 to index
        %get3A_591 = arith.constant 32 : index
        %get3A_592 = tpu.vector_load %arg6[%get3A_590, %get3A_591] {strides = array<i32>} : memref<128x64xf32, #tpu.memory_space<vmem>>, vector<1x16xf32>,
        %get3A_593 = vector.shape_cast %get3A_592 : vector<1x16xf32> to vector<16xf32>
        %mul3A_594 = arith.constant 8.000000e+00 : f32
        %mul3A_595 = vector.broadcast %mul3A_594 : f32 to vector<16xf32>
        %mul3A_596 = arith.mulf %get3A_593, %mul3A_595 : vector<16xf32>
        %swap3A_597 = arith.index_cast %add3A_517 : i32 to index
        %swap3A_598 = arith.constant 32 : index
        %swap3A_599 = tpu.vector_load %arg8[%swap3A_597, %swap3A_598] {strides = array<i32>} : memref<64x128xf32, #tpu.memory_space<vmem>>, vector<1x16xf32>,
        %swap3A_600 = vector.shape_cast %swap3A_599 : vector<1x16xf32> to vector<16xf32>
        %swap3A_601 = vector.shape_cast %mul3A_596 : vector<16xf32> to vector<1x16xf32>
        tpu.vector_store %arg8[%swap3A_597, %swap3A_598], %swap3A_601 {strides = array<i32>} : memref<64x128xf32, #tpu.memory_space<vmem>>, vector<1x16xf32>,
        %mul3A_602 = arith.constant 2 : i32
        %mul3A_603 = arith.muli %mul3A_602, %scan3A_103 : i32
        %add3A_604 = arith.constant 96 : i32
        %add3A_605 = arith.addi %mul3A_603, %add3A_604 : i32
        %add3A_606 = arith.constant 1 : i32
        %add3A_607 = arith.addi %add3A_605, %add3A_606 : i32
        %get3A_608 = arith.index_cast %add3A_607 : i32 to index
        %get3A_609 = arith.constant 32 : index
        %get3A_610 = tpu.vector_load %arg6[%get3A_608, %get3A_609] {strides = array<i32>} : memref<128x64xf32, #tpu.memory_space<vmem>>, vector<1x16xf32>,
        %get3A_611 = vector.shape_cast %get3A_610 : vector<1x16xf32> to vector<16xf32>
        %mul3A_612 = arith.constant 8.000000e+00 : f32
        %mul3A_613 = vector.broadcast %mul3A_612 : f32 to vector<16xf32>
        %mul3A_614 = arith.mulf %get3A_611, %mul3A_613 : vector<16xf32>
        %swap3A_615 = arith.index_cast %add3A_517 : i32 to index
        %swap3A_616 = arith.constant 96 : index
        %swap3A_617 = tpu.vector_load %arg8[%swap3A_615, %swap3A_616] {strides = array<i32>} : memref<64x128xf32, #tpu.memory_space<vmem>>, vector<1x16xf32>,
        %swap3A_618 = vector.shape_cast %swap3A_617 : vector<1x16xf32> to vector<16xf32>
        %swap3A_619 = vector.shape_cast %mul3A_614 : vector<16xf32> to vector<1x16xf32>
        tpu.vector_store %arg8[%swap3A_615, %swap3A_616], %swap3A_619 {strides = array<i32>} : memref<64x128xf32, #tpu.memory_space<vmem>>, vector<1x16xf32>,
        %mul3A_620 = arith.constant 2 : i32
        %mul3A_621 = arith.muli %mul3A_620, %scan3A_103 : i32
        %add3A_622 = arith.constant 96 : i32
        %add3A_623 = arith.addi %mul3A_621, %add3A_622 : i32
        %get3A_624 = arith.index_cast %add3A_623 : i32 to index
        %get3A_625 = arith.constant 48 : index
        %get3A_626 = tpu.vector_load %arg6[%get3A_624, %get3A_625] {strides = array<i32>} : memref<128x64xf32, #tpu.memory_space<vmem>>, vector<1x16xf32>,
        %get3A_627 = vector.shape_cast %get3A_626 : vector<1x16xf32> to vector<16xf32>
        %mul3A_628 = arith.constant 8.000000e+00 : f32
        %mul3A_629 = vector.broadcast %mul3A_628 : f32 to vector<16xf32>
        %mul3A_630 = arith.mulf %get3A_627, %mul3A_629 : vector<16xf32>
        %swap3A_631 = arith.index_cast %add3A_517 : i32 to index
        %swap3A_632 = arith.constant 48 : index
        %swap3A_633 = tpu.vector_load %arg8[%swap3A_631, %swap3A_632] {strides = array<i32>} : memref<64x128xf32, #tpu.memory_space<vmem>>, vector<1x16xf32>,
        %swap3A_634 = vector.shape_cast %swap3A_633 : vector<1x16xf32> to vector<16xf32>
        %swap3A_635 = vector.shape_cast %mul3A_630 : vector<16xf32> to vector<1x16xf32>
        tpu.vector_store %arg8[%swap3A_631, %swap3A_632], %swap3A_635 {strides = array<i32>} : memref<64x128xf32, #tpu.memory_space<vmem>>, vector<1x16xf32>,
        %mul3A_636 = arith.constant 2 : i32
        %mul3A_637 = arith.muli %mul3A_636, %scan3A_103 : i32
        %add3A_638 = arith.constant 96 : i32
        %add3A_639 = arith.addi %mul3A_637, %add3A_638 : i32
        %add3A_640 = arith.constant 1 : i32
        %add3A_641 = arith.addi %add3A_639, %add3A_640 : i32
        %get3A_642 = arith.index_cast %add3A_641 : i32 to index
        %get3A_643 = arith.constant 48 : index
        %get3A_644 = tpu.vector_load %arg6[%get3A_642, %get3A_643] {strides = array<i32>} : memref<128x64xf32, #tpu.memory_space<vmem>>, vector<1x16xf32>,
        %get3A_645 = vector.shape_cast %get3A_644 : vector<1x16xf32> to vector<16xf32>
        %mul3A_646 = arith.constant 8.000000e+00 : f32
        %mul3A_647 = vector.broadcast %mul3A_646 : f32 to vector<16xf32>
        %mul3A_648 = arith.mulf %get3A_645, %mul3A_647 : vector<16xf32>
        %swap3A_649 = arith.index_cast %add3A_517 : i32 to index
        %swap3A_650 = arith.constant 112 : index
        %swap3A_651 = tpu.vector_load %arg8[%swap3A_649, %swap3A_650] {strides = array<i32>} : memref<64x128xf32, #tpu.memory_space<vmem>>, vector<1x16xf32>,
        %swap3A_652 = vector.shape_cast %swap3A_651 : vector<1x16xf32> to vector<16xf32>
        %swap3A_653 = vector.shape_cast %mul3A_648 : vector<16xf32> to vector<1x16xf32>
        tpu.vector_store %arg8[%swap3A_649, %swap3A_650], %swap3A_653 {strides = array<i32>} : memref<64x128xf32, #tpu.memory_space<vmem>>, vector<1x16xf32>,
      }
      %scan3A_58 = arith.constant 16 : i32
      %lt3A = arith.constant 24 : i32
      %lt3A_59 = arith.cmpi slt, %scan3A_40, %lt3A : i32
      %convert_element_type3A_60 = arith.extui %lt3A_59 : i1 to i32
      %cond3A_61 = arith.constant 0 : i32
      %cond3A_62 = arith.cmpi ne, %convert_element_type3A_60, %cond3A_61 : i32
      scf.if %cond3A_62 {
        %add3A_103 = arith.constant 2 : i32
        %add3A_104 = arith.addi %mul3A_42, %add3A_103 : i32
        %dma_start3A_105 = arith.constant 0 : i32
        %dma_start3A_106 = tpu.memref_slice %arg5[%add3A_104, %dma_start3A_105] : memref<50x128xi32, #tpu.memory_space<vmem>> -> memref<1x128xi32, #tpu.memory_space<vmem>>
        %dma_start3A_107 = tpu.memref_squeeze %dma_start3A_106 : memref<1x128xi32, #tpu.memory_space<vmem>> -> memref<128xi32, #tpu.memory_space<vmem>>
        %dma_start3A_108 = arith.constant 0 : i32
        %dma_start3A_109 = arith.constant 0 : i32
        %dma_start3A_110 = tpu.memref_slice %arg3[%dma_start3A_108, %dma_start3A_109] : memref<1000000x64xf32, #tpu.memory_space<hbm>> -> memref<1000000x64xf32, #tpu.memory_space<hbm>>
        tpu.enqueue_indirect_dma source(%dma_start3A_110 : memref<1000000x64xf32, #tpu.memory_space<hbm>>) target(%arg6 : memref<128x64xf32, #tpu.memory_space<vmem>>) offsets(%dma_start3A_107 : memref<128xi32, #tpu.memory_space<vmem>>) semaphore(%arg10 : memref<!tpu.dma_semaphore, #tpu.memory_space<semaphore_mem>>)
      } else {
      }
      %mul3A_63 = arith.constant 50 : i32
      %mul3A_64 = arith.muli %add3A, %mul3A_63 : i32
      %add3A_65 = arith.addi %mul3A_64, %mul3A_42 : i32
      %mul3A_66 = arith.constant 64 : i32
      %mul3A_67 = arith.muli %add3A_65, %mul3A_66 : i32
      %dma_start3A_68 = arith.constant 0 : i32
      %dma_start3A_69 = tpu.memref_slice %arg4[%mul3A_67, %dma_start3A_68] : memref<102400x128xf32, #tpu.memory_space<hbm>> -> memref<64x128xf32, #tpu.memory_space<hbm>>
      %dma_start3A_70 = arith.constant 0 : i32
      %dma_start3A_71 = tpu.memref_slice %arg4[%mul3A_67, %dma_start3A_70] : memref<102400x128xf32, #tpu.memory_space<hbm>> -> memref<64x128xf32, #tpu.memory_space<hbm>>
      tpu.enqueue_dma source(%arg8 : memref<64x128xf32, #tpu.memory_space<vmem>>) target(%dma_start3A_71 : memref<64x128xf32, #tpu.memory_space<hbm>>) target_semaphore(%arg12 : memref<!tpu.dma_semaphore, #tpu.memory_space<semaphore_mem>>)
      %dma_wait3A_72 = arith.constant 0 : i32
      %dma_wait3A_73 = tpu.memref_slice %arg5[%add3A_44, %dma_wait3A_72] : memref<50x128xi32, #tpu.memory_space<vmem>> -> memref<1x128xi32, #tpu.memory_space<vmem>>
      %dma_wait3A_74 = tpu.memref_squeeze %dma_wait3A_73 : memref<1x128xi32, #tpu.memory_space<vmem>> -> memref<128xi32, #tpu.memory_space<vmem>>
      %dma_wait3A_75 = arith.constant 0 : i32
      %dma_wait3A_76 = arith.constant 0 : i32
      %dma_wait3A_77 = tpu.memref_slice %arg3[%dma_wait3A_75, %dma_wait3A_76] : memref<1000000x64xf32, #tpu.memory_space<hbm>> -> memref<1000000x64xf32, #tpu.memory_space<hbm>>
      tpu.wait_indirect_dma semaphore(%arg11 : memref<!tpu.dma_semaphore, #tpu.memory_space<semaphore_mem>>) src(%dma_wait3A_77 : memref<1000000x64xf32, #tpu.memory_space<hbm>>) dst(%arg7 : memref<128x64xf32, #tpu.memory_space<vmem>>)
      %gt3A_78 = arith.constant 0 : i32
      %gt3A_79 = arith.cmpi sgt, %scan3A_40, %gt3A_78 : i32
      %convert_element_type3A_80 = arith.extui %gt3A_79 : i1 to i32
      %cond3A_81 = arith.constant 0 : i32
      %cond3A_82 = arith.cmpi ne, %convert_element_type3A_80, %cond3A_81 : i32
      scf.if %cond3A_82 {
        %mul3A_103 = arith.constant 50 : i32
        %mul3A_104 = arith.muli %add3A, %mul3A_103 : i32
        %add3A_105 = arith.addi %mul3A_104, %add3A_44 : i32
        %mul3A_106 = arith.constant 64 : i32
        %mul3A_107 = arith.muli %add3A_105, %mul3A_106 : i32
        %dma_wait3A_108 = arith.constant 0 : i32
        %dma_wait3A_109 = tpu.memref_slice %arg4[%mul3A_107, %dma_wait3A_108] : memref<102400x128xf32, #tpu.memory_space<hbm>> -> memref<64x128xf32, #tpu.memory_space<hbm>>
        %dma_wait3A_110 = arith.constant 0 : i32
        %dma_wait3A_111 = tpu.memref_slice %arg4[%mul3A_107, %dma_wait3A_110] : memref<102400x128xf32, #tpu.memory_space<hbm>> -> memref<64x128xf32, #tpu.memory_space<hbm>>
        tpu.wait_dma2 semaphore(%arg13 : memref<!tpu.dma_semaphore, #tpu.memory_space<semaphore_mem>>) src(%arg9 : memref<64x128xf32, #tpu.memory_space<vmem>>) dst(%dma_wait3A_111 : memref<64x128xf32, #tpu.memory_space<hbm>>)
      } else {
      }
      %scan3A_83 = arith.constant 0 : i32
      %scan3A_84 = arith.constant 0 : i32
      %scan3A_85 = arith.constant 16 : i32
      %scan3A_86 = arith.addi %scan3A_84, %scan3A_85 : i32
      %scan3A_87 = arith.constant 1 : i32
      scf.for %scan3A_103 = %scan3A_84 to %scan3A_86 step %scan3A_87  : i32 {
        %add3A_104 = arith.constant 0 : i32
        %add3A_105 = arith.addi %scan3A_103, %add3A_104 : i32
        %mul3A_106 = arith.constant 2 : i32
        %mul3A_107 = arith.muli %mul3A_106, %scan3A_103 : i32
        %add3A_108 = arith.constant 0 : i32
        %add3A_109 = arith.addi %mul3A_107, %add3A_108 : i32
        %get3A = arith.index_cast %add3A_109 : i32 to index
        %get3A_110 = arith.constant 0 : index
        %get3A_111 = tpu.vector_load %arg7[%get3A, %get3A_110] {strides = array<i32>} : memref<128x64xf32, #tpu.memory_space<vmem>>, vector<1x16xf32>,
        %get3A_112 = vector.shape_cast %get3A_111 : vector<1x16xf32> to vector<16xf32>
        %mul3A_113 = arith.constant 8.000000e+00 : f32
        %mul3A_114 = vector.broadcast %mul3A_113 : f32 to vector<16xf32>
        %mul3A_115 = arith.mulf %get3A_112, %mul3A_114 : vector<16xf32>
        %swap3A = arith.index_cast %add3A_105 : i32 to index
        %swap3A_116 = arith.constant 0 : index
        %swap3A_117 = tpu.vector_load %arg9[%swap3A, %swap3A_116] {strides = array<i32>} : memref<64x128xf32, #tpu.memory_space<vmem>>, vector<1x16xf32>,
        %swap3A_118 = vector.shape_cast %swap3A_117 : vector<1x16xf32> to vector<16xf32>
        %swap3A_119 = vector.shape_cast %mul3A_115 : vector<16xf32> to vector<1x16xf32>
        tpu.vector_store %arg9[%swap3A, %swap3A_116], %swap3A_119 {strides = array<i32>} : memref<64x128xf32, #tpu.memory_space<vmem>>, vector<1x16xf32>,
        %mul3A_120 = arith.constant 2 : i32
        %mul3A_121 = arith.muli %mul3A_120, %scan3A_103 : i32
        %add3A_122 = arith.constant 0 : i32
        %add3A_123 = arith.addi %mul3A_121, %add3A_122 : i32
        %add3A_124 = arith.constant 1 : i32
        %add3A_125 = arith.addi %add3A_123, %add3A_124 : i32
        %get3A_126 = arith.index_cast %add3A_125 : i32 to index
        %get3A_127 = arith.constant 0 : index
        %get3A_128 = tpu.vector_load %arg7[%get3A_126, %get3A_127] {strides = array<i32>} : memref<128x64xf32, #tpu.memory_space<vmem>>, vector<1x16xf32>,
        %get3A_129 = vector.shape_cast %get3A_128 : vector<1x16xf32> to vector<16xf32>
        %mul3A_130 = arith.constant 8.000000e+00 : f32
        %mul3A_131 = vector.broadcast %mul3A_130 : f32 to vector<16xf32>
        %mul3A_132 = arith.mulf %get3A_129, %mul3A_131 : vector<16xf32>
        %swap3A_133 = arith.index_cast %add3A_105 : i32 to index
        %swap3A_134 = arith.constant 64 : index
        %swap3A_135 = tpu.vector_load %arg9[%swap3A_133, %swap3A_134] {strides = array<i32>} : memref<64x128xf32, #tpu.memory_space<vmem>>, vector<1x16xf32>,
        %swap3A_136 = vector.shape_cast %swap3A_135 : vector<1x16xf32> to vector<16xf32>
        %swap3A_137 = vector.shape_cast %mul3A_132 : vector<16xf32> to vector<1x16xf32>
        tpu.vector_store %arg9[%swap3A_133, %swap3A_134], %swap3A_137 {strides = array<i32>} : memref<64x128xf32, #tpu.memory_space<vmem>>, vector<1x16xf32>,
        %mul3A_138 = arith.constant 2 : i32
        %mul3A_139 = arith.muli %mul3A_138, %scan3A_103 : i32
        %add3A_140 = arith.constant 0 : i32
        %add3A_141 = arith.addi %mul3A_139, %add3A_140 : i32
        %get3A_142 = arith.index_cast %add3A_141 : i32 to index
        %get3A_143 = arith.constant 16 : index
        %get3A_144 = tpu.vector_load %arg7[%get3A_142, %get3A_143] {strides = array<i32>} : memref<128x64xf32, #tpu.memory_space<vmem>>, vector<1x16xf32>,
        %get3A_145 = vector.shape_cast %get3A_144 : vector<1x16xf32> to vector<16xf32>
        %mul3A_146 = arith.constant 8.000000e+00 : f32
        %mul3A_147 = vector.broadcast %mul3A_146 : f32 to vector<16xf32>
        %mul3A_148 = arith.mulf %get3A_145, %mul3A_147 : vector<16xf32>
        %swap3A_149 = arith.index_cast %add3A_105 : i32 to index
        %swap3A_150 = arith.constant 16 : index
        %swap3A_151 = tpu.vector_load %arg9[%swap3A_149, %swap3A_150] {strides = array<i32>} : memref<64x128xf32, #tpu.memory_space<vmem>>, vector<1x16xf32>,
        %swap3A_152 = vector.shape_cast %swap3A_151 : vector<1x16xf32> to vector<16xf32>
        %swap3A_153 = vector.shape_cast %mul3A_148 : vector<16xf32> to vector<1x16xf32>
        tpu.vector_store %arg9[%swap3A_149, %swap3A_150], %swap3A_153 {strides = array<i32>} : memref<64x128xf32, #tpu.memory_space<vmem>>, vector<1x16xf32>,
        %mul3A_154 = arith.constant 2 : i32
        %mul3A_155 = arith.muli %mul3A_154, %scan3A_103 : i32
        %add3A_156 = arith.constant 0 : i32
        %add3A_157 = arith.addi %mul3A_155, %add3A_156 : i32
        %add3A_158 = arith.constant 1 : i32
        %add3A_159 = arith.addi %add3A_157, %add3A_158 : i32
        %get3A_160 = arith.index_cast %add3A_159 : i32 to index
        %get3A_161 = arith.constant 16 : index
        %get3A_162 = tpu.vector_load %arg7[%get3A_160, %get3A_161] {strides = array<i32>} : memref<128x64xf32, #tpu.memory_space<vmem>>, vector<1x16xf32>,
        %get3A_163 = vector.shape_cast %get3A_162 : vector<1x16xf32> to vector<16xf32>
        %mul3A_164 = arith.constant 8.000000e+00 : f32
        %mul3A_165 = vector.broadcast %mul3A_164 : f32 to vector<16xf32>
        %mul3A_166 = arith.mulf %get3A_163, %mul3A_165 : vector<16xf32>
        %swap3A_167 = arith.index_cast %add3A_105 : i32 to index
        %swap3A_168 = arith.constant 80 : index
        %swap3A_169 = tpu.vector_load %arg9[%swap3A_167, %swap3A_168] {strides = array<i32>} : memref<64x128xf32, #tpu.memory_space<vmem>>, vector<1x16xf32>,
        %swap3A_170 = vector.shape_cast %swap3A_169 : vector<1x16xf32> to vector<16xf32>
        %swap3A_171 = vector.shape_cast %mul3A_166 : vector<16xf32> to vector<1x16xf32>
        tpu.vector_store %arg9[%swap3A_167, %swap3A_168], %swap3A_171 {strides = array<i32>} : memref<64x128xf32, #tpu.memory_space<vmem>>, vector<1x16xf32>,
        %mul3A_172 = arith.constant 2 : i32
        %mul3A_173 = arith.muli %mul3A_172, %scan3A_103 : i32
        %add3A_174 = arith.constant 0 : i32
        %add3A_175 = arith.addi %mul3A_173, %add3A_174 : i32
        %get3A_176 = arith.index_cast %add3A_175 : i32 to index
        %get3A_177 = arith.constant 32 : index
        %get3A_178 = tpu.vector_load %arg7[%get3A_176, %get3A_177] {strides = array<i32>} : memref<128x64xf32, #tpu.memory_space<vmem>>, vector<1x16xf32>,
        %get3A_179 = vector.shape_cast %get3A_178 : vector<1x16xf32> to vector<16xf32>
        %mul3A_180 = arith.constant 8.000000e+00 : f32
        %mul3A_181 = vector.broadcast %mul3A_180 : f32 to vector<16xf32>
        %mul3A_182 = arith.mulf %get3A_179, %mul3A_181 : vector<16xf32>
        %swap3A_183 = arith.index_cast %add3A_105 : i32 to index
        %swap3A_184 = arith.constant 32 : index
        %swap3A_185 = tpu.vector_load %arg9[%swap3A_183, %swap3A_184] {strides = array<i32>} : memref<64x128xf32, #tpu.memory_space<vmem>>, vector<1x16xf32>,
        %swap3A_186 = vector.shape_cast %swap3A_185 : vector<1x16xf32> to vector<16xf32>
        %swap3A_187 = vector.shape_cast %mul3A_182 : vector<16xf32> to vector<1x16xf32>
        tpu.vector_store %arg9[%swap3A_183, %swap3A_184], %swap3A_187 {strides = array<i32>} : memref<64x128xf32, #tpu.memory_space<vmem>>, vector<1x16xf32>,
        %mul3A_188 = arith.constant 2 : i32
        %mul3A_189 = arith.muli %mul3A_188, %scan3A_103 : i32
        %add3A_190 = arith.constant 0 : i32
        %add3A_191 = arith.addi %mul3A_189, %add3A_190 : i32
        %add3A_192 = arith.constant 1 : i32
        %add3A_193 = arith.addi %add3A_191, %add3A_192 : i32
        %get3A_194 = arith.index_cast %add3A_193 : i32 to index
        %get3A_195 = arith.constant 32 : index
        %get3A_196 = tpu.vector_load %arg7[%get3A_194, %get3A_195] {strides = array<i32>} : memref<128x64xf32, #tpu.memory_space<vmem>>, vector<1x16xf32>,
        %get3A_197 = vector.shape_cast %get3A_196 : vector<1x16xf32> to vector<16xf32>
        %mul3A_198 = arith.constant 8.000000e+00 : f32
        %mul3A_199 = vector.broadcast %mul3A_198 : f32 to vector<16xf32>
        %mul3A_200 = arith.mulf %get3A_197, %mul3A_199 : vector<16xf32>
        %swap3A_201 = arith.index_cast %add3A_105 : i32 to index
        %swap3A_202 = arith.constant 96 : index
        %swap3A_203 = tpu.vector_load %arg9[%swap3A_201, %swap3A_202] {strides = array<i32>} : memref<64x128xf32, #tpu.memory_space<vmem>>, vector<1x16xf32>,
        %swap3A_204 = vector.shape_cast %swap3A_203 : vector<1x16xf32> to vector<16xf32>
        %swap3A_205 = vector.shape_cast %mul3A_200 : vector<16xf32> to vector<1x16xf32>
        tpu.vector_store %arg9[%swap3A_201, %swap3A_202], %swap3A_205 {strides = array<i32>} : memref<64x128xf32, #tpu.memory_space<vmem>>, vector<1x16xf32>,
        %mul3A_206 = arith.constant 2 : i32
        %mul3A_207 = arith.muli %mul3A_206, %scan3A_103 : i32
        %add3A_208 = arith.constant 0 : i32
        %add3A_209 = arith.addi %mul3A_207, %add3A_208 : i32
        %get3A_210 = arith.index_cast %add3A_209 : i32 to index
        %get3A_211 = arith.constant 48 : index
        %get3A_212 = tpu.vector_load %arg7[%get3A_210, %get3A_211] {strides = array<i32>} : memref<128x64xf32, #tpu.memory_space<vmem>>, vector<1x16xf32>,
        %get3A_213 = vector.shape_cast %get3A_212 : vector<1x16xf32> to vector<16xf32>
        %mul3A_214 = arith.constant 8.000000e+00 : f32
        %mul3A_215 = vector.broadcast %mul3A_214 : f32 to vector<16xf32>
        %mul3A_216 = arith.mulf %get3A_213, %mul3A_215 : vector<16xf32>
        %swap3A_217 = arith.index_cast %add3A_105 : i32 to index
        %swap3A_218 = arith.constant 48 : index
        %swap3A_219 = tpu.vector_load %arg9[%swap3A_217, %swap3A_218] {strides = array<i32>} : memref<64x128xf32, #tpu.memory_space<vmem>>, vector<1x16xf32>,
        %swap3A_220 = vector.shape_cast %swap3A_219 : vector<1x16xf32> to vector<16xf32>
        %swap3A_221 = vector.shape_cast %mul3A_216 : vector<16xf32> to vector<1x16xf32>
        tpu.vector_store %arg9[%swap3A_217, %swap3A_218], %swap3A_221 {strides = array<i32>} : memref<64x128xf32, #tpu.memory_space<vmem>>, vector<1x16xf32>,
        %mul3A_222 = arith.constant 2 : i32
        %mul3A_223 = arith.muli %mul3A_222, %scan3A_103 : i32
        %add3A_224 = arith.constant 0 : i32
        %add3A_225 = arith.addi %mul3A_223, %add3A_224 : i32
        %add3A_226 = arith.constant 1 : i32
        %add3A_227 = arith.addi %add3A_225, %add3A_226 : i32
        %get3A_228 = arith.index_cast %add3A_227 : i32 to index
        %get3A_229 = arith.constant 48 : index
        %get3A_230 = tpu.vector_load %arg7[%get3A_228, %get3A_229] {strides = array<i32>} : memref<128x64xf32, #tpu.memory_space<vmem>>, vector<1x16xf32>,
        %get3A_231 = vector.shape_cast %get3A_230 : vector<1x16xf32> to vector<16xf32>
        %mul3A_232 = arith.constant 8.000000e+00 : f32
        %mul3A_233 = vector.broadcast %mul3A_232 : f32 to vector<16xf32>
        %mul3A_234 = arith.mulf %get3A_231, %mul3A_233 : vector<16xf32>
        %swap3A_235 = arith.index_cast %add3A_105 : i32 to index
        %swap3A_236 = arith.constant 112 : index
        %swap3A_237 = tpu.vector_load %arg9[%swap3A_235, %swap3A_236] {strides = array<i32>} : memref<64x128xf32, #tpu.memory_space<vmem>>, vector<1x16xf32>,
        %swap3A_238 = vector.shape_cast %swap3A_237 : vector<1x16xf32> to vector<16xf32>
        %swap3A_239 = vector.shape_cast %mul3A_234 : vector<16xf32> to vector<1x16xf32>
        tpu.vector_store %arg9[%swap3A_235, %swap3A_236], %swap3A_239 {strides = array<i32>} : memref<64x128xf32, #tpu.memory_space<vmem>>, vector<1x16xf32>,
        %add3A_240 = arith.constant 16 : i32
        %add3A_241 = arith.addi %scan3A_103, %add3A_240 : i32
        %mul3A_242 = arith.constant 2 : i32
        %mul3A_243 = arith.muli %mul3A_242, %scan3A_103 : i32
        %add3A_244 = arith.constant 32 : i32
        %add3A_245 = arith.addi %mul3A_243, %add3A_244 : i32
        %get3A_246 = arith.index_cast %add3A_245 : i32 to index
        %get3A_247 = arith.constant 0 : index
        %get3A_248 = tpu.vector_load %arg7[%get3A_246, %get3A_247] {strides = array<i32>} : memref<128x64xf32, #tpu.memory_space<vmem>>, vector<1x16xf32>,
        %get3A_249 = vector.shape_cast %get3A_248 : vector<1x16xf32> to vector<16xf32>
        %mul3A_250 = arith.constant 8.000000e+00 : f32
        %mul3A_251 = vector.broadcast %mul3A_250 : f32 to vector<16xf32>
        %mul3A_252 = arith.mulf %get3A_249, %mul3A_251 : vector<16xf32>
        %swap3A_253 = arith.index_cast %add3A_241 : i32 to index
        %swap3A_254 = arith.constant 0 : index
        %swap3A_255 = tpu.vector_load %arg9[%swap3A_253, %swap3A_254] {strides = array<i32>} : memref<64x128xf32, #tpu.memory_space<vmem>>, vector<1x16xf32>,
        %swap3A_256 = vector.shape_cast %swap3A_255 : vector<1x16xf32> to vector<16xf32>
        %swap3A_257 = vector.shape_cast %mul3A_252 : vector<16xf32> to vector<1x16xf32>
        tpu.vector_store %arg9[%swap3A_253, %swap3A_254], %swap3A_257 {strides = array<i32>} : memref<64x128xf32, #tpu.memory_space<vmem>>, vector<1x16xf32>,
        %mul3A_258 = arith.constant 2 : i32
        %mul3A_259 = arith.muli %mul3A_258, %scan3A_103 : i32
        %add3A_260 = arith.constant 32 : i32
        %add3A_261 = arith.addi %mul3A_259, %add3A_260 : i32
        %add3A_262 = arith.constant 1 : i32
        %add3A_263 = arith.addi %add3A_261, %add3A_262 : i32
        %get3A_264 = arith.index_cast %add3A_263 : i32 to index
        %get3A_265 = arith.constant 0 : index
        %get3A_266 = tpu.vector_load %arg7[%get3A_264, %get3A_265] {strides = array<i32>} : memref<128x64xf32, #tpu.memory_space<vmem>>, vector<1x16xf32>,
        %get3A_267 = vector.shape_cast %get3A_266 : vector<1x16xf32> to vector<16xf32>
        %mul3A_268 = arith.constant 8.000000e+00 : f32
        %mul3A_269 = vector.broadcast %mul3A_268 : f32 to vector<16xf32>
        %mul3A_270 = arith.mulf %get3A_267, %mul3A_269 : vector<16xf32>
        %swap3A_271 = arith.index_cast %add3A_241 : i32 to index
        %swap3A_272 = arith.constant 64 : index
        %swap3A_273 = tpu.vector_load %arg9[%swap3A_271, %swap3A_272] {strides = array<i32>} : memref<64x128xf32, #tpu.memory_space<vmem>>, vector<1x16xf32>,
        %swap3A_274 = vector.shape_cast %swap3A_273 : vector<1x16xf32> to vector<16xf32>
        %swap3A_275 = vector.shape_cast %mul3A_270 : vector<16xf32> to vector<1x16xf32>
        tpu.vector_store %arg9[%swap3A_271, %swap3A_272], %swap3A_275 {strides = array<i32>} : memref<64x128xf32, #tpu.memory_space<vmem>>, vector<1x16xf32>,
        %mul3A_276 = arith.constant 2 : i32
        %mul3A_277 = arith.muli %mul3A_276, %scan3A_103 : i32
        %add3A_278 = arith.constant 32 : i32
        %add3A_279 = arith.addi %mul3A_277, %add3A_278 : i32
        %get3A_280 = arith.index_cast %add3A_279 : i32 to index
        %get3A_281 = arith.constant 16 : index
        %get3A_282 = tpu.vector_load %arg7[%get3A_280, %get3A_281] {strides = array<i32>} : memref<128x64xf32, #tpu.memory_space<vmem>>, vector<1x16xf32>,
        %get3A_283 = vector.shape_cast %get3A_282 : vector<1x16xf32> to vector<16xf32>
        %mul3A_284 = arith.constant 8.000000e+00 : f32
        %mul3A_285 = vector.broadcast %mul3A_284 : f32 to vector<16xf32>
        %mul3A_286 = arith.mulf %get3A_283, %mul3A_285 : vector<16xf32>
        %swap3A_287 = arith.index_cast %add3A_241 : i32 to index
        %swap3A_288 = arith.constant 16 : index
        %swap3A_289 = tpu.vector_load %arg9[%swap3A_287, %swap3A_288] {strides = array<i32>} : memref<64x128xf32, #tpu.memory_space<vmem>>, vector<1x16xf32>,
        %swap3A_290 = vector.shape_cast %swap3A_289 : vector<1x16xf32> to vector<16xf32>
        %swap3A_291 = vector.shape_cast %mul3A_286 : vector<16xf32> to vector<1x16xf32>
        tpu.vector_store %arg9[%swap3A_287, %swap3A_288], %swap3A_291 {strides = array<i32>} : memref<64x128xf32, #tpu.memory_space<vmem>>, vector<1x16xf32>,
        %mul3A_292 = arith.constant 2 : i32
        %mul3A_293 = arith.muli %mul3A_292, %scan3A_103 : i32
        %add3A_294 = arith.constant 32 : i32
        %add3A_295 = arith.addi %mul3A_293, %add3A_294 : i32
        %add3A_296 = arith.constant 1 : i32
        %add3A_297 = arith.addi %add3A_295, %add3A_296 : i32
        %get3A_298 = arith.index_cast %add3A_297 : i32 to index
        %get3A_299 = arith.constant 16 : index
        %get3A_300 = tpu.vector_load %arg7[%get3A_298, %get3A_299] {strides = array<i32>} : memref<128x64xf32, #tpu.memory_space<vmem>>, vector<1x16xf32>,
        %get3A_301 = vector.shape_cast %get3A_300 : vector<1x16xf32> to vector<16xf32>
        %mul3A_302 = arith.constant 8.000000e+00 : f32
        %mul3A_303 = vector.broadcast %mul3A_302 : f32 to vector<16xf32>
        %mul3A_304 = arith.mulf %get3A_301, %mul3A_303 : vector<16xf32>
        %swap3A_305 = arith.index_cast %add3A_241 : i32 to index
        %swap3A_306 = arith.constant 80 : index
        %swap3A_307 = tpu.vector_load %arg9[%swap3A_305, %swap3A_306] {strides = array<i32>} : memref<64x128xf32, #tpu.memory_space<vmem>>, vector<1x16xf32>,
        %swap3A_308 = vector.shape_cast %swap3A_307 : vector<1x16xf32> to vector<16xf32>
        %swap3A_309 = vector.shape_cast %mul3A_304 : vector<16xf32> to vector<1x16xf32>
        tpu.vector_store %arg9[%swap3A_305, %swap3A_306], %swap3A_309 {strides = array<i32>} : memref<64x128xf32, #tpu.memory_space<vmem>>, vector<1x16xf32>,
        %mul3A_310 = arith.constant 2 : i32
        %mul3A_311 = arith.muli %mul3A_310, %scan3A_103 : i32
        %add3A_312 = arith.constant 32 : i32
        %add3A_313 = arith.addi %mul3A_311, %add3A_312 : i32
        %get3A_314 = arith.index_cast %add3A_313 : i32 to index
        %get3A_315 = arith.constant 32 : index
        %get3A_316 = tpu.vector_load %arg7[%get3A_314, %get3A_315] {strides = array<i32>} : memref<128x64xf32, #tpu.memory_space<vmem>>, vector<1x16xf32>,
        %get3A_317 = vector.shape_cast %get3A_316 : vector<1x16xf32> to vector<16xf32>
        %mul3A_318 = arith.constant 8.000000e+00 : f32
        %mul3A_319 = vector.broadcast %mul3A_318 : f32 to vector<16xf32>
        %mul3A_320 = arith.mulf %get3A_317, %mul3A_319 : vector<16xf32>
        %swap3A_321 = arith.index_cast %add3A_241 : i32 to index
        %swap3A_322 = arith.constant 32 : index
        %swap3A_323 = tpu.vector_load %arg9[%swap3A_321, %swap3A_322] {strides = array<i32>} : memref<64x128xf32, #tpu.memory_space<vmem>>, vector<1x16xf32>,
        %swap3A_324 = vector.shape_cast %swap3A_323 : vector<1x16xf32> to vector<16xf32>
        %swap3A_325 = vector.shape_cast %mul3A_320 : vector<16xf32> to vector<1x16xf32>
        tpu.vector_store %arg9[%swap3A_321, %swap3A_322], %swap3A_325 {strides = array<i32>} : memref<64x128xf32, #tpu.memory_space<vmem>>, vector<1x16xf32>,
        %mul3A_326 = arith.constant 2 : i32
        %mul3A_327 = arith.muli %mul3A_326, %scan3A_103 : i32
        %add3A_328 = arith.constant 32 : i32
        %add3A_329 = arith.addi %mul3A_327, %add3A_328 : i32
        %add3A_330 = arith.constant 1 : i32
        %add3A_331 = arith.addi %add3A_329, %add3A_330 : i32
        %get3A_332 = arith.index_cast %add3A_331 : i32 to index
        %get3A_333 = arith.constant 32 : index
        %get3A_334 = tpu.vector_load %arg7[%get3A_332, %get3A_333] {strides = array<i32>} : memref<128x64xf32, #tpu.memory_space<vmem>>, vector<1x16xf32>,
        %get3A_335 = vector.shape_cast %get3A_334 : vector<1x16xf32> to vector<16xf32>
        %mul3A_336 = arith.constant 8.000000e+00 : f32
        %mul3A_337 = vector.broadcast %mul3A_336 : f32 to vector<16xf32>
        %mul3A_338 = arith.mulf %get3A_335, %mul3A_337 : vector<16xf32>
        %swap3A_339 = arith.index_cast %add3A_241 : i32 to index
        %swap3A_340 = arith.constant 96 : index
        %swap3A_341 = tpu.vector_load %arg9[%swap3A_339, %swap3A_340] {strides = array<i32>} : memref<64x128xf32, #tpu.memory_space<vmem>>, vector<1x16xf32>,
        %swap3A_342 = vector.shape_cast %swap3A_341 : vector<1x16xf32> to vector<16xf32>
        %swap3A_343 = vector.shape_cast %mul3A_338 : vector<16xf32> to vector<1x16xf32>
        tpu.vector_store %arg9[%swap3A_339, %swap3A_340], %swap3A_343 {strides = array<i32>} : memref<64x128xf32, #tpu.memory_space<vmem>>, vector<1x16xf32>,
        %mul3A_344 = arith.constant 2 : i32
        %mul3A_345 = arith.muli %mul3A_344, %scan3A_103 : i32
        %add3A_346 = arith.constant 32 : i32
        %add3A_347 = arith.addi %mul3A_345, %add3A_346 : i32
        %get3A_348 = arith.index_cast %add3A_347 : i32 to index
        %get3A_349 = arith.constant 48 : index
        %get3A_350 = tpu.vector_load %arg7[%get3A_348, %get3A_349] {strides = array<i32>} : memref<128x64xf32, #tpu.memory_space<vmem>>, vector<1x16xf32>,
        %get3A_351 = vector.shape_cast %get3A_350 : vector<1x16xf32> to vector<16xf32>
        %mul3A_352 = arith.constant 8.000000e+00 : f32
        %mul3A_353 = vector.broadcast %mul3A_352 : f32 to vector<16xf32>
        %mul3A_354 = arith.mulf %get3A_351, %mul3A_353 : vector<16xf32>
        %swap3A_355 = arith.index_cast %add3A_241 : i32 to index
        %swap3A_356 = arith.constant 48 : index
        %swap3A_357 = tpu.vector_load %arg9[%swap3A_355, %swap3A_356] {strides = array<i32>} : memref<64x128xf32, #tpu.memory_space<vmem>>, vector<1x16xf32>,
        %swap3A_358 = vector.shape_cast %swap3A_357 : vector<1x16xf32> to vector<16xf32>
        %swap3A_359 = vector.shape_cast %mul3A_354 : vector<16xf32> to vector<1x16xf32>
        tpu.vector_store %arg9[%swap3A_355, %swap3A_356], %swap3A_359 {strides = array<i32>} : memref<64x128xf32, #tpu.memory_space<vmem>>, vector<1x16xf32>,
        %mul3A_360 = arith.constant 2 : i32
        %mul3A_361 = arith.muli %mul3A_360, %scan3A_103 : i32
        %add3A_362 = arith.constant 32 : i32
        %add3A_363 = arith.addi %mul3A_361, %add3A_362 : i32
        %add3A_364 = arith.constant 1 : i32
        %add3A_365 = arith.addi %add3A_363, %add3A_364 : i32
        %get3A_366 = arith.index_cast %add3A_365 : i32 to index
        %get3A_367 = arith.constant 48 : index
        %get3A_368 = tpu.vector_load %arg7[%get3A_366, %get3A_367] {strides = array<i32>} : memref<128x64xf32, #tpu.memory_space<vmem>>, vector<1x16xf32>,
        %get3A_369 = vector.shape_cast %get3A_368 : vector<1x16xf32> to vector<16xf32>
        %mul3A_370 = arith.constant 8.000000e+00 : f32
        %mul3A_371 = vector.broadcast %mul3A_370 : f32 to vector<16xf32>
        %mul3A_372 = arith.mulf %get3A_369, %mul3A_371 : vector<16xf32>
        %swap3A_373 = arith.index_cast %add3A_241 : i32 to index
        %swap3A_374 = arith.constant 112 : index
        %swap3A_375 = tpu.vector_load %arg9[%swap3A_373, %swap3A_374] {strides = array<i32>} : memref<64x128xf32, #tpu.memory_space<vmem>>, vector<1x16xf32>,
        %swap3A_376 = vector.shape_cast %swap3A_375 : vector<1x16xf32> to vector<16xf32>
        %swap3A_377 = vector.shape_cast %mul3A_372 : vector<16xf32> to vector<1x16xf32>
        tpu.vector_store %arg9[%swap3A_373, %swap3A_374], %swap3A_377 {strides = array<i32>} : memref<64x128xf32, #tpu.memory_space<vmem>>, vector<1x16xf32>,
        %add3A_378 = arith.constant 32 : i32
        %add3A_379 = arith.addi %scan3A_103, %add3A_378 : i32
        %mul3A_380 = arith.constant 2 : i32
        %mul3A_381 = arith.muli %mul3A_380, %scan3A_103 : i32
        %add3A_382 = arith.constant 64 : i32
        %add3A_383 = arith.addi %mul3A_381, %add3A_382 : i32
        %get3A_384 = arith.index_cast %add3A_383 : i32 to index
        %get3A_385 = arith.constant 0 : index
        %get3A_386 = tpu.vector_load %arg7[%get3A_384, %get3A_385] {strides = array<i32>} : memref<128x64xf32, #tpu.memory_space<vmem>>, vector<1x16xf32>,
        %get3A_387 = vector.shape_cast %get3A_386 : vector<1x16xf32> to vector<16xf32>
        %mul3A_388 = arith.constant 8.000000e+00 : f32
        %mul3A_389 = vector.broadcast %mul3A_388 : f32 to vector<16xf32>
        %mul3A_390 = arith.mulf %get3A_387, %mul3A_389 : vector<16xf32>
        %swap3A_391 = arith.index_cast %add3A_379 : i32 to index
        %swap3A_392 = arith.constant 0 : index
        %swap3A_393 = tpu.vector_load %arg9[%swap3A_391, %swap3A_392] {strides = array<i32>} : memref<64x128xf32, #tpu.memory_space<vmem>>, vector<1x16xf32>,
        %swap3A_394 = vector.shape_cast %swap3A_393 : vector<1x16xf32> to vector<16xf32>
        %swap3A_395 = vector.shape_cast %mul3A_390 : vector<16xf32> to vector<1x16xf32>
        tpu.vector_store %arg9[%swap3A_391, %swap3A_392], %swap3A_395 {strides = array<i32>} : memref<64x128xf32, #tpu.memory_space<vmem>>, vector<1x16xf32>,
        %mul3A_396 = arith.constant 2 : i32
        %mul3A_397 = arith.muli %mul3A_396, %scan3A_103 : i32
        %add3A_398 = arith.constant 64 : i32
        %add3A_399 = arith.addi %mul3A_397, %add3A_398 : i32
        %add3A_400 = arith.constant 1 : i32
        %add3A_401 = arith.addi %add3A_399, %add3A_400 : i32
        %get3A_402 = arith.index_cast %add3A_401 : i32 to index
        %get3A_403 = arith.constant 0 : index
        %get3A_404 = tpu.vector_load %arg7[%get3A_402, %get3A_403] {strides = array<i32>} : memref<128x64xf32, #tpu.memory_space<vmem>>, vector<1x16xf32>,
        %get3A_405 = vector.shape_cast %get3A_404 : vector<1x16xf32> to vector<16xf32>
        %mul3A_406 = arith.constant 8.000000e+00 : f32
        %mul3A_407 = vector.broadcast %mul3A_406 : f32 to vector<16xf32>
        %mul3A_408 = arith.mulf %get3A_405, %mul3A_407 : vector<16xf32>
        %swap3A_409 = arith.index_cast %add3A_379 : i32 to index
        %swap3A_410 = arith.constant 64 : index
        %swap3A_411 = tpu.vector_load %arg9[%swap3A_409, %swap3A_410] {strides = array<i32>} : memref<64x128xf32, #tpu.memory_space<vmem>>, vector<1x16xf32>,
        %swap3A_412 = vector.shape_cast %swap3A_411 : vector<1x16xf32> to vector<16xf32>
        %swap3A_413 = vector.shape_cast %mul3A_408 : vector<16xf32> to vector<1x16xf32>
        tpu.vector_store %arg9[%swap3A_409, %swap3A_410], %swap3A_413 {strides = array<i32>} : memref<64x128xf32, #tpu.memory_space<vmem>>, vector<1x16xf32>,
        %mul3A_414 = arith.constant 2 : i32
        %mul3A_415 = arith.muli %mul3A_414, %scan3A_103 : i32
        %add3A_416 = arith.constant 64 : i32
        %add3A_417 = arith.addi %mul3A_415, %add3A_416 : i32
        %get3A_418 = arith.index_cast %add3A_417 : i32 to index
        %get3A_419 = arith.constant 16 : index
        %get3A_420 = tpu.vector_load %arg7[%get3A_418, %get3A_419] {strides = array<i32>} : memref<128x64xf32, #tpu.memory_space<vmem>>, vector<1x16xf32>,
        %get3A_421 = vector.shape_cast %get3A_420 : vector<1x16xf32> to vector<16xf32>
        %mul3A_422 = arith.constant 8.000000e+00 : f32
        %mul3A_423 = vector.broadcast %mul3A_422 : f32 to vector<16xf32>
        %mul3A_424 = arith.mulf %get3A_421, %mul3A_423 : vector<16xf32>
        %swap3A_425 = arith.index_cast %add3A_379 : i32 to index
        %swap3A_426 = arith.constant 16 : index
        %swap3A_427 = tpu.vector_load %arg9[%swap3A_425, %swap3A_426] {strides = array<i32>} : memref<64x128xf32, #tpu.memory_space<vmem>>, vector<1x16xf32>,
        %swap3A_428 = vector.shape_cast %swap3A_427 : vector<1x16xf32> to vector<16xf32>
        %swap3A_429 = vector.shape_cast %mul3A_424 : vector<16xf32> to vector<1x16xf32>
        tpu.vector_store %arg9[%swap3A_425, %swap3A_426], %swap3A_429 {strides = array<i32>} : memref<64x128xf32, #tpu.memory_space<vmem>>, vector<1x16xf32>,
        %mul3A_430 = arith.constant 2 : i32
        %mul3A_431 = arith.muli %mul3A_430, %scan3A_103 : i32
        %add3A_432 = arith.constant 64 : i32
        %add3A_433 = arith.addi %mul3A_431, %add3A_432 : i32
        %add3A_434 = arith.constant 1 : i32
        %add3A_435 = arith.addi %add3A_433, %add3A_434 : i32
        %get3A_436 = arith.index_cast %add3A_435 : i32 to index
        %get3A_437 = arith.constant 16 : index
        %get3A_438 = tpu.vector_load %arg7[%get3A_436, %get3A_437] {strides = array<i32>} : memref<128x64xf32, #tpu.memory_space<vmem>>, vector<1x16xf32>,
        %get3A_439 = vector.shape_cast %get3A_438 : vector<1x16xf32> to vector<16xf32>
        %mul3A_440 = arith.constant 8.000000e+00 : f32
        %mul3A_441 = vector.broadcast %mul3A_440 : f32 to vector<16xf32>
        %mul3A_442 = arith.mulf %get3A_439, %mul3A_441 : vector<16xf32>
        %swap3A_443 = arith.index_cast %add3A_379 : i32 to index
        %swap3A_444 = arith.constant 80 : index
        %swap3A_445 = tpu.vector_load %arg9[%swap3A_443, %swap3A_444] {strides = array<i32>} : memref<64x128xf32, #tpu.memory_space<vmem>>, vector<1x16xf32>,
        %swap3A_446 = vector.shape_cast %swap3A_445 : vector<1x16xf32> to vector<16xf32>
        %swap3A_447 = vector.shape_cast %mul3A_442 : vector<16xf32> to vector<1x16xf32>
        tpu.vector_store %arg9[%swap3A_443, %swap3A_444], %swap3A_447 {strides = array<i32>} : memref<64x128xf32, #tpu.memory_space<vmem>>, vector<1x16xf32>,
        %mul3A_448 = arith.constant 2 : i32
        %mul3A_449 = arith.muli %mul3A_448, %scan3A_103 : i32
        %add3A_450 = arith.constant 64 : i32
        %add3A_451 = arith.addi %mul3A_449, %add3A_450 : i32
        %get3A_452 = arith.index_cast %add3A_451 : i32 to index
        %get3A_453 = arith.constant 32 : index
        %get3A_454 = tpu.vector_load %arg7[%get3A_452, %get3A_453] {strides = array<i32>} : memref<128x64xf32, #tpu.memory_space<vmem>>, vector<1x16xf32>,
        %get3A_455 = vector.shape_cast %get3A_454 : vector<1x16xf32> to vector<16xf32>
        %mul3A_456 = arith.constant 8.000000e+00 : f32
        %mul3A_457 = vector.broadcast %mul3A_456 : f32 to vector<16xf32>
        %mul3A_458 = arith.mulf %get3A_455, %mul3A_457 : vector<16xf32>
        %swap3A_459 = arith.index_cast %add3A_379 : i32 to index
        %swap3A_460 = arith.constant 32 : index
        %swap3A_461 = tpu.vector_load %arg9[%swap3A_459, %swap3A_460] {strides = array<i32>} : memref<64x128xf32, #tpu.memory_space<vmem>>, vector<1x16xf32>,
        %swap3A_462 = vector.shape_cast %swap3A_461 : vector<1x16xf32> to vector<16xf32>
        %swap3A_463 = vector.shape_cast %mul3A_458 : vector<16xf32> to vector<1x16xf32>
        tpu.vector_store %arg9[%swap3A_459, %swap3A_460], %swap3A_463 {strides = array<i32>} : memref<64x128xf32, #tpu.memory_space<vmem>>, vector<1x16xf32>,
        %mul3A_464 = arith.constant 2 : i32
        %mul3A_465 = arith.muli %mul3A_464, %scan3A_103 : i32
        %add3A_466 = arith.constant 64 : i32
        %add3A_467 = arith.addi %mul3A_465, %add3A_466 : i32
        %add3A_468 = arith.constant 1 : i32
        %add3A_469 = arith.addi %add3A_467, %add3A_468 : i32
        %get3A_470 = arith.index_cast %add3A_469 : i32 to index
        %get3A_471 = arith.constant 32 : index
        %get3A_472 = tpu.vector_load %arg7[%get3A_470, %get3A_471] {strides = array<i32>} : memref<128x64xf32, #tpu.memory_space<vmem>>, vector<1x16xf32>,
        %get3A_473 = vector.shape_cast %get3A_472 : vector<1x16xf32> to vector<16xf32>
        %mul3A_474 = arith.constant 8.000000e+00 : f32
        %mul3A_475 = vector.broadcast %mul3A_474 : f32 to vector<16xf32>
        %mul3A_476 = arith.mulf %get3A_473, %mul3A_475 : vector<16xf32>
        %swap3A_477 = arith.index_cast %add3A_379 : i32 to index
        %swap3A_478 = arith.constant 96 : index
        %swap3A_479 = tpu.vector_load %arg9[%swap3A_477, %swap3A_478] {strides = array<i32>} : memref<64x128xf32, #tpu.memory_space<vmem>>, vector<1x16xf32>,
        %swap3A_480 = vector.shape_cast %swap3A_479 : vector<1x16xf32> to vector<16xf32>
        %swap3A_481 = vector.shape_cast %mul3A_476 : vector<16xf32> to vector<1x16xf32>
        tpu.vector_store %arg9[%swap3A_477, %swap3A_478], %swap3A_481 {strides = array<i32>} : memref<64x128xf32, #tpu.memory_space<vmem>>, vector<1x16xf32>,
        %mul3A_482 = arith.constant 2 : i32
        %mul3A_483 = arith.muli %mul3A_482, %scan3A_103 : i32
        %add3A_484 = arith.constant 64 : i32
        %add3A_485 = arith.addi %mul3A_483, %add3A_484 : i32
        %get3A_486 = arith.index_cast %add3A_485 : i32 to index
        %get3A_487 = arith.constant 48 : index
        %get3A_488 = tpu.vector_load %arg7[%get3A_486, %get3A_487] {strides = array<i32>} : memref<128x64xf32, #tpu.memory_space<vmem>>, vector<1x16xf32>,
        %get3A_489 = vector.shape_cast %get3A_488 : vector<1x16xf32> to vector<16xf32>
        %mul3A_490 = arith.constant 8.000000e+00 : f32
        %mul3A_491 = vector.broadcast %mul3A_490 : f32 to vector<16xf32>
        %mul3A_492 = arith.mulf %get3A_489, %mul3A_491 : vector<16xf32>
        %swap3A_493 = arith.index_cast %add3A_379 : i32 to index
        %swap3A_494 = arith.constant 48 : index
        %swap3A_495 = tpu.vector_load %arg9[%swap3A_493, %swap3A_494] {strides = array<i32>} : memref<64x128xf32, #tpu.memory_space<vmem>>, vector<1x16xf32>,
        %swap3A_496 = vector.shape_cast %swap3A_495 : vector<1x16xf32> to vector<16xf32>
        %swap3A_497 = vector.shape_cast %mul3A_492 : vector<16xf32> to vector<1x16xf32>
        tpu.vector_store %arg9[%swap3A_493, %swap3A_494], %swap3A_497 {strides = array<i32>} : memref<64x128xf32, #tpu.memory_space<vmem>>, vector<1x16xf32>,
        %mul3A_498 = arith.constant 2 : i32
        %mul3A_499 = arith.muli %mul3A_498, %scan3A_103 : i32
        %add3A_500 = arith.constant 64 : i32
        %add3A_501 = arith.addi %mul3A_499, %add3A_500 : i32
        %add3A_502 = arith.constant 1 : i32
        %add3A_503 = arith.addi %add3A_501, %add3A_502 : i32
        %get3A_504 = arith.index_cast %add3A_503 : i32 to index
        %get3A_505 = arith.constant 48 : index
        %get3A_506 = tpu.vector_load %arg7[%get3A_504, %get3A_505] {strides = array<i32>} : memref<128x64xf32, #tpu.memory_space<vmem>>, vector<1x16xf32>,
        %get3A_507 = vector.shape_cast %get3A_506 : vector<1x16xf32> to vector<16xf32>
        %mul3A_508 = arith.constant 8.000000e+00 : f32
        %mul3A_509 = vector.broadcast %mul3A_508 : f32 to vector<16xf32>
        %mul3A_510 = arith.mulf %get3A_507, %mul3A_509 : vector<16xf32>
        %swap3A_511 = arith.index_cast %add3A_379 : i32 to index
        %swap3A_512 = arith.constant 112 : index
        %swap3A_513 = tpu.vector_load %arg9[%swap3A_511, %swap3A_512] {strides = array<i32>} : memref<64x128xf32, #tpu.memory_space<vmem>>, vector<1x16xf32>,
        %swap3A_514 = vector.shape_cast %swap3A_513 : vector<1x16xf32> to vector<16xf32>
        %swap3A_515 = vector.shape_cast %mul3A_510 : vector<16xf32> to vector<1x16xf32>
        tpu.vector_store %arg9[%swap3A_511, %swap3A_512], %swap3A_515 {strides = array<i32>} : memref<64x128xf32, #tpu.memory_space<vmem>>, vector<1x16xf32>,
        %add3A_516 = arith.constant 48 : i32
        %add3A_517 = arith.addi %scan3A_103, %add3A_516 : i32
        %mul3A_518 = arith.constant 2 : i32
        %mul3A_519 = arith.muli %mul3A_518, %scan3A_103 : i32
        %add3A_520 = arith.constant 96 : i32
        %add3A_521 = arith.addi %mul3A_519, %add3A_520 : i32
        %get3A_522 = arith.index_cast %add3A_521 : i32 to index
        %get3A_523 = arith.constant 0 : index
        %get3A_524 = tpu.vector_load %arg7[%get3A_522, %get3A_523] {strides = array<i32>} : memref<128x64xf32, #tpu.memory_space<vmem>>, vector<1x16xf32>,
        %get3A_525 = vector.shape_cast %get3A_524 : vector<1x16xf32> to vector<16xf32>
        %mul3A_526 = arith.constant 8.000000e+00 : f32
        %mul3A_527 = vector.broadcast %mul3A_526 : f32 to vector<16xf32>
        %mul3A_528 = arith.mulf %get3A_525, %mul3A_527 : vector<16xf32>
        %swap3A_529 = arith.index_cast %add3A_517 : i32 to index
        %swap3A_530 = arith.constant 0 : index
        %swap3A_531 = tpu.vector_load %arg9[%swap3A_529, %swap3A_530] {strides = array<i32>} : memref<64x128xf32, #tpu.memory_space<vmem>>, vector<1x16xf32>,
        %swap3A_532 = vector.shape_cast %swap3A_531 : vector<1x16xf32> to vector<16xf32>
        %swap3A_533 = vector.shape_cast %mul3A_528 : vector<16xf32> to vector<1x16xf32>
        tpu.vector_store %arg9[%swap3A_529, %swap3A_530], %swap3A_533 {strides = array<i32>} : memref<64x128xf32, #tpu.memory_space<vmem>>, vector<1x16xf32>,
        %mul3A_534 = arith.constant 2 : i32
        %mul3A_535 = arith.muli %mul3A_534, %scan3A_103 : i32
        %add3A_536 = arith.constant 96 : i32
        %add3A_537 = arith.addi %mul3A_535, %add3A_536 : i32
        %add3A_538 = arith.constant 1 : i32
        %add3A_539 = arith.addi %add3A_537, %add3A_538 : i32
        %get3A_540 = arith.index_cast %add3A_539 : i32 to index
        %get3A_541 = arith.constant 0 : index
        %get3A_542 = tpu.vector_load %arg7[%get3A_540, %get3A_541] {strides = array<i32>} : memref<128x64xf32, #tpu.memory_space<vmem>>, vector<1x16xf32>,
        %get3A_543 = vector.shape_cast %get3A_542 : vector<1x16xf32> to vector<16xf32>
        %mul3A_544 = arith.constant 8.000000e+00 : f32
        %mul3A_545 = vector.broadcast %mul3A_544 : f32 to vector<16xf32>
        %mul3A_546 = arith.mulf %get3A_543, %mul3A_545 : vector<16xf32>
        %swap3A_547 = arith.index_cast %add3A_517 : i32 to index
        %swap3A_548 = arith.constant 64 : index
        %swap3A_549 = tpu.vector_load %arg9[%swap3A_547, %swap3A_548] {strides = array<i32>} : memref<64x128xf32, #tpu.memory_space<vmem>>, vector<1x16xf32>,
        %swap3A_550 = vector.shape_cast %swap3A_549 : vector<1x16xf32> to vector<16xf32>
        %swap3A_551 = vector.shape_cast %mul3A_546 : vector<16xf32> to vector<1x16xf32>
        tpu.vector_store %arg9[%swap3A_547, %swap3A_548], %swap3A_551 {strides = array<i32>} : memref<64x128xf32, #tpu.memory_space<vmem>>, vector<1x16xf32>,
        %mul3A_552 = arith.constant 2 : i32
        %mul3A_553 = arith.muli %mul3A_552, %scan3A_103 : i32
        %add3A_554 = arith.constant 96 : i32
        %add3A_555 = arith.addi %mul3A_553, %add3A_554 : i32
        %get3A_556 = arith.index_cast %add3A_555 : i32 to index
        %get3A_557 = arith.constant 16 : index
        %get3A_558 = tpu.vector_load %arg7[%get3A_556, %get3A_557] {strides = array<i32>} : memref<128x64xf32, #tpu.memory_space<vmem>>, vector<1x16xf32>,
        %get3A_559 = vector.shape_cast %get3A_558 : vector<1x16xf32> to vector<16xf32>
        %mul3A_560 = arith.constant 8.000000e+00 : f32
        %mul3A_561 = vector.broadcast %mul3A_560 : f32 to vector<16xf32>
        %mul3A_562 = arith.mulf %get3A_559, %mul3A_561 : vector<16xf32>
        %swap3A_563 = arith.index_cast %add3A_517 : i32 to index
        %swap3A_564 = arith.constant 16 : index
        %swap3A_565 = tpu.vector_load %arg9[%swap3A_563, %swap3A_564] {strides = array<i32>} : memref<64x128xf32, #tpu.memory_space<vmem>>, vector<1x16xf32>,
        %swap3A_566 = vector.shape_cast %swap3A_565 : vector<1x16xf32> to vector<16xf32>
        %swap3A_567 = vector.shape_cast %mul3A_562 : vector<16xf32> to vector<1x16xf32>
        tpu.vector_store %arg9[%swap3A_563, %swap3A_564], %swap3A_567 {strides = array<i32>} : memref<64x128xf32, #tpu.memory_space<vmem>>, vector<1x16xf32>,
        %mul3A_568 = arith.constant 2 : i32
        %mul3A_569 = arith.muli %mul3A_568, %scan3A_103 : i32
        %add3A_570 = arith.constant 96 : i32
        %add3A_571 = arith.addi %mul3A_569, %add3A_570 : i32
        %add3A_572 = arith.constant 1 : i32
        %add3A_573 = arith.addi %add3A_571, %add3A_572 : i32
        %get3A_574 = arith.index_cast %add3A_573 : i32 to index
        %get3A_575 = arith.constant 16 : index
        %get3A_576 = tpu.vector_load %arg7[%get3A_574, %get3A_575] {strides = array<i32>} : memref<128x64xf32, #tpu.memory_space<vmem>>, vector<1x16xf32>,
        %get3A_577 = vector.shape_cast %get3A_576 : vector<1x16xf32> to vector<16xf32>
        %mul3A_578 = arith.constant 8.000000e+00 : f32
        %mul3A_579 = vector.broadcast %mul3A_578 : f32 to vector<16xf32>
        %mul3A_580 = arith.mulf %get3A_577, %mul3A_579 : vector<16xf32>
        %swap3A_581 = arith.index_cast %add3A_517 : i32 to index
        %swap3A_582 = arith.constant 80 : index
        %swap3A_583 = tpu.vector_load %arg9[%swap3A_581, %swap3A_582] {strides = array<i32>} : memref<64x128xf32, #tpu.memory_space<vmem>>, vector<1x16xf32>,
        %swap3A_584 = vector.shape_cast %swap3A_583 : vector<1x16xf32> to vector<16xf32>
        %swap3A_585 = vector.shape_cast %mul3A_580 : vector<16xf32> to vector<1x16xf32>
        tpu.vector_store %arg9[%swap3A_581, %swap3A_582], %swap3A_585 {strides = array<i32>} : memref<64x128xf32, #tpu.memory_space<vmem>>, vector<1x16xf32>,
        %mul3A_586 = arith.constant 2 : i32
        %mul3A_587 = arith.muli %mul3A_586, %scan3A_103 : i32
        %add3A_588 = arith.constant 96 : i32
        %add3A_589 = arith.addi %mul3A_587, %add3A_588 : i32
        %get3A_590 = arith.index_cast %add3A_589 : i32 to index
        %get3A_591 = arith.constant 32 : index
        %get3A_592 = tpu.vector_load %arg7[%get3A_590, %get3A_591] {strides = array<i32>} : memref<128x64xf32, #tpu.memory_space<vmem>>, vector<1x16xf32>,
        %get3A_593 = vector.shape_cast %get3A_592 : vector<1x16xf32> to vector<16xf32>
        %mul3A_594 = arith.constant 8.000000e+00 : f32
        %mul3A_595 = vector.broadcast %mul3A_594 : f32 to vector<16xf32>
        %mul3A_596 = arith.mulf %get3A_593, %mul3A_595 : vector<16xf32>
        %swap3A_597 = arith.index_cast %add3A_517 : i32 to index
        %swap3A_598 = arith.constant 32 : index
        %swap3A_599 = tpu.vector_load %arg9[%swap3A_597, %swap3A_598] {strides = array<i32>} : memref<64x128xf32, #tpu.memory_space<vmem>>, vector<1x16xf32>,
        %swap3A_600 = vector.shape_cast %swap3A_599 : vector<1x16xf32> to vector<16xf32>
        %swap3A_601 = vector.shape_cast %mul3A_596 : vector<16xf32> to vector<1x16xf32>
        tpu.vector_store %arg9[%swap3A_597, %swap3A_598], %swap3A_601 {strides = array<i32>} : memref<64x128xf32, #tpu.memory_space<vmem>>, vector<1x16xf32>,
        %mul3A_602 = arith.constant 2 : i32
        %mul3A_603 = arith.muli %mul3A_602, %scan3A_103 : i32
        %add3A_604 = arith.constant 96 : i32
        %add3A_605 = arith.addi %mul3A_603, %add3A_604 : i32
        %add3A_606 = arith.constant 1 : i32
        %add3A_607 = arith.addi %add3A_605, %add3A_606 : i32
        %get3A_608 = arith.index_cast %add3A_607 : i32 to index
        %get3A_609 = arith.constant 32 : index
        %get3A_610 = tpu.vector_load %arg7[%get3A_608, %get3A_609] {strides = array<i32>} : memref<128x64xf32, #tpu.memory_space<vmem>>, vector<1x16xf32>,
        %get3A_611 = vector.shape_cast %get3A_610 : vector<1x16xf32> to vector<16xf32>
        %mul3A_612 = arith.constant 8.000000e+00 : f32
        %mul3A_613 = vector.broadcast %mul3A_612 : f32 to vector<16xf32>
        %mul3A_614 = arith.mulf %get3A_611, %mul3A_613 : vector<16xf32>
        %swap3A_615 = arith.index_cast %add3A_517 : i32 to index
        %swap3A_616 = arith.constant 96 : index
        %swap3A_617 = tpu.vector_load %arg9[%swap3A_615, %swap3A_616] {strides = array<i32>} : memref<64x128xf32, #tpu.memory_space<vmem>>, vector<1x16xf32>,
        %swap3A_618 = vector.shape_cast %swap3A_617 : vector<1x16xf32> to vector<16xf32>
        %swap3A_619 = vector.shape_cast %mul3A_614 : vector<16xf32> to vector<1x16xf32>
        tpu.vector_store %arg9[%swap3A_615, %swap3A_616], %swap3A_619 {strides = array<i32>} : memref<64x128xf32, #tpu.memory_space<vmem>>, vector<1x16xf32>,
        %mul3A_620 = arith.constant 2 : i32
        %mul3A_621 = arith.muli %mul3A_620, %scan3A_103 : i32
        %add3A_622 = arith.constant 96 : i32
        %add3A_623 = arith.addi %mul3A_621, %add3A_622 : i32
        %get3A_624 = arith.index_cast %add3A_623 : i32 to index
        %get3A_625 = arith.constant 48 : index
        %get3A_626 = tpu.vector_load %arg7[%get3A_624, %get3A_625] {strides = array<i32>} : memref<128x64xf32, #tpu.memory_space<vmem>>, vector<1x16xf32>,
        %get3A_627 = vector.shape_cast %get3A_626 : vector<1x16xf32> to vector<16xf32>
        %mul3A_628 = arith.constant 8.000000e+00 : f32
        %mul3A_629 = vector.broadcast %mul3A_628 : f32 to vector<16xf32>
        %mul3A_630 = arith.mulf %get3A_627, %mul3A_629 : vector<16xf32>
        %swap3A_631 = arith.index_cast %add3A_517 : i32 to index
        %swap3A_632 = arith.constant 48 : index
        %swap3A_633 = tpu.vector_load %arg9[%swap3A_631, %swap3A_632] {strides = array<i32>} : memref<64x128xf32, #tpu.memory_space<vmem>>, vector<1x16xf32>,
        %swap3A_634 = vector.shape_cast %swap3A_633 : vector<1x16xf32> to vector<16xf32>
        %swap3A_635 = vector.shape_cast %mul3A_630 : vector<16xf32> to vector<1x16xf32>
        tpu.vector_store %arg9[%swap3A_631, %swap3A_632], %swap3A_635 {strides = array<i32>} : memref<64x128xf32, #tpu.memory_space<vmem>>, vector<1x16xf32>,
        %mul3A_636 = arith.constant 2 : i32
        %mul3A_637 = arith.muli %mul3A_636, %scan3A_103 : i32
        %add3A_638 = arith.constant 96 : i32
        %add3A_639 = arith.addi %mul3A_637, %add3A_638 : i32
        %add3A_640 = arith.constant 1 : i32
        %add3A_641 = arith.addi %add3A_639, %add3A_640 : i32
        %get3A_642 = arith.index_cast %add3A_641 : i32 to index
        %get3A_643 = arith.constant 48 : index
        %get3A_644 = tpu.vector_load %arg7[%get3A_642, %get3A_643] {strides = array<i32>} : memref<128x64xf32, #tpu.memory_space<vmem>>, vector<1x16xf32>,
        %get3A_645 = vector.shape_cast %get3A_644 : vector<1x16xf32> to vector<16xf32>
        %mul3A_646 = arith.constant 8.000000e+00 : f32
        %mul3A_647 = vector.broadcast %mul3A_646 : f32 to vector<16xf32>
        %mul3A_648 = arith.mulf %get3A_645, %mul3A_647 : vector<16xf32>
        %swap3A_649 = arith.index_cast %add3A_517 : i32 to index
        %swap3A_650 = arith.constant 112 : index
        %swap3A_651 = tpu.vector_load %arg9[%swap3A_649, %swap3A_650] {strides = array<i32>} : memref<64x128xf32, #tpu.memory_space<vmem>>, vector<1x16xf32>,
        %swap3A_652 = vector.shape_cast %swap3A_651 : vector<1x16xf32> to vector<16xf32>
        %swap3A_653 = vector.shape_cast %mul3A_648 : vector<16xf32> to vector<1x16xf32>
        tpu.vector_store %arg9[%swap3A_649, %swap3A_650], %swap3A_653 {strides = array<i32>} : memref<64x128xf32, #tpu.memory_space<vmem>>, vector<1x16xf32>,
      }
      %scan3A_88 = arith.constant 16 : i32
      %lt3A_89 = arith.constant 24 : i32
      %lt3A_90 = arith.cmpi slt, %scan3A_40, %lt3A_89 : i32
      %convert_element_type3A_91 = arith.extui %lt3A_90 : i1 to i32
      %cond3A_92 = arith.constant 0 : i32
      %cond3A_93 = arith.cmpi ne, %convert_element_type3A_91, %cond3A_92 : i32
      scf.if %cond3A_93 {
        %add3A_103 = arith.constant 2 : i32
        %add3A_104 = arith.addi %add3A_44, %add3A_103 : i32
        %dma_start3A_105 = arith.constant 0 : i32
        %dma_start3A_106 = tpu.memref_slice %arg5[%add3A_104, %dma_start3A_105] : memref<50x128xi32, #tpu.memory_space<vmem>> -> memref<1x128xi32, #tpu.memory_space<vmem>>
        %dma_start3A_107 = tpu.memref_squeeze %dma_start3A_106 : memref<1x128xi32, #tpu.memory_space<vmem>> -> memref<128xi32, #tpu.memory_space<vmem>>
        %dma_start3A_108 = arith.constant 0 : i32
        %dma_start3A_109 = arith.constant 0 : i32
        %dma_start3A_110 = tpu.memref_slice %arg3[%dma_start3A_108, %dma_start3A_109] : memref<1000000x64xf32, #tpu.memory_space<hbm>> -> memref<1000000x64xf32, #tpu.memory_space<hbm>>
        tpu.enqueue_indirect_dma source(%dma_start3A_110 : memref<1000000x64xf32, #tpu.memory_space<hbm>>) target(%arg7 : memref<128x64xf32, #tpu.memory_space<vmem>>) offsets(%dma_start3A_107 : memref<128xi32, #tpu.memory_space<vmem>>) semaphore(%arg11 : memref<!tpu.dma_semaphore, #tpu.memory_space<semaphore_mem>>)
      } else {
      }
      %mul3A_94 = arith.constant 50 : i32
      %mul3A_95 = arith.muli %add3A, %mul3A_94 : i32
      %add3A_96 = arith.addi %mul3A_95, %add3A_44 : i32
      %mul3A_97 = arith.constant 64 : i32
      %mul3A_98 = arith.muli %add3A_96, %mul3A_97 : i32
      %dma_start3A_99 = arith.constant 0 : i32
      %dma_start3A_100 = tpu.memref_slice %arg4[%mul3A_98, %dma_start3A_99] : memref<102400x128xf32, #tpu.memory_space<hbm>> -> memref<64x128xf32, #tpu.memory_space<hbm>>
      %dma_start3A_101 = arith.constant 0 : i32
      %dma_start3A_102 = tpu.memref_slice %arg4[%mul3A_98, %dma_start3A_101] : memref<102400x128xf32, #tpu.memory_space<hbm>> -> memref<64x128xf32, #tpu.memory_space<hbm>>
      tpu.enqueue_dma source(%arg9 : memref<64x128xf32, #tpu.memory_space<vmem>>) target(%dma_start3A_102 : memref<64x128xf32, #tpu.memory_space<hbm>>) target_semaphore(%arg13 : memref<!tpu.dma_semaphore, #tpu.memory_space<semaphore_mem>>)
    }
    %scan3A_20 = arith.constant 25 : i32
    %mul3A_21 = arith.constant 50 : i32
    %mul3A_22 = arith.muli %add3A, %mul3A_21 : i32
    %add3A_23 = arith.constant 48 : i32
    %add3A_24 = arith.addi %mul3A_22, %add3A_23 : i32
    %mul3A_25 = arith.constant 64 : i32
    %mul3A_26 = arith.muli %add3A_24, %mul3A_25 : i32
    %dma_wait3A = arith.constant 0 : i32
    %dma_wait3A_27 = tpu.memref_slice %arg4[%mul3A_26, %dma_wait3A] : memref<102400x128xf32, #tpu.memory_space<hbm>> -> memref<64x128xf32, #tpu.memory_space<hbm>>
    %dma_wait3A_28 = arith.constant 0 : i32
    %dma_wait3A_29 = tpu.memref_slice %arg4[%mul3A_26, %dma_wait3A_28] : memref<102400x128xf32, #tpu.memory_space<hbm>> -> memref<64x128xf32, #tpu.memory_space<hbm>>
    tpu.wait_dma2 semaphore(%arg12 : memref<!tpu.dma_semaphore, #tpu.memory_space<semaphore_mem>>) src(%arg8 : memref<64x128xf32, #tpu.memory_space<vmem>>) dst(%dma_wait3A_29 : memref<64x128xf32, #tpu.memory_space<hbm>>)
    %mul3A_30 = arith.constant 50 : i32
    %mul3A_31 = arith.muli %add3A, %mul3A_30 : i32
    %add3A_32 = arith.constant 49 : i32
    %add3A_33 = arith.addi %mul3A_31, %add3A_32 : i32
    %mul3A_34 = arith.constant 64 : i32
    %mul3A_35 = arith.muli %add3A_33, %mul3A_34 : i32
    %dma_wait3A_36 = arith.constant 0 : i32
    %dma_wait3A_37 = tpu.memref_slice %arg4[%mul3A_35, %dma_wait3A_36] : memref<102400x128xf32, #tpu.memory_space<hbm>> -> memref<64x128xf32, #tpu.memory_space<hbm>>
    %dma_wait3A_38 = arith.constant 0 : i32
    %dma_wait3A_39 = tpu.memref_slice %arg4[%mul3A_35, %dma_wait3A_38] : memref<102400x128xf32, #tpu.memory_space<hbm>> -> memref<64x128xf32, #tpu.memory_space<hbm>>
    tpu.wait_dma2 semaphore(%arg13 : memref<!tpu.dma_semaphore, #tpu.memory_space<semaphore_mem>>) src(%arg9 : memref<64x128xf32, #tpu.memory_space<vmem>>) dst(%dma_wait3A_39 : memref<64x128xf32, #tpu.memory_space<hbm>>)
    return
  }
}

</mosaic_0001>

<sc_bundles>
// kernel: kernel.3.cloned.1.call-start
scs
__scs_entry_jumppad:
0x0: {  	(pc) =	sbr.rel $0x88, $3  }
0x1: {  	(tag) =	ssettag $0x0;
	lr =	simm.s32 $0x1  }
0x2: {  	[smem:$0x3F9F] =	sst lr;
	_ =	strace $0xD0000000  }
0x3: {  	_ = 	snop  }
0x4: {  	_ = 	snop  }
0x5: {  	_ = 	snop  }
0x6: {  	_ = 	snop  }
0x7: {  	_ = 	snop  }
__scs_overlays_trampoline_lowered:
0x8: {  	[smem:$0x3FAE] =	sst s0  }
0x9: {  	[smem:$0x3FAF] =	sst s1  }
0xa: {  	[smem:$0x3FB0] =	sst s2  }
0xb: {  	[smem:$0x3FB1] =	sst s3  }
0xc: {  	[smem:$0x3FB2] =	sst s4  }
0xd: {  	[smem:$0x3FB3] =	sst s5  }
0xe: {  	[smem:$0x3FB4] =	sst s6  }
0xf: {  	[smem:$0x3FB5] =	sst s7  }
0x10: {  	[smem:$0x3FB6] =	sst s8  }
0x11: {  	[smem:$0x3FB7] =	sst s9;
	s0 =	simm.s32 @!p0 $0x0  }
0x12: {  	s1 =	sld [smem:$0x3F9D];
	s0 =	simm.s32 @p0 $0x1  }
0x13: {  	[smem:$0x3FB8] =	sst s0;
	s0 =	simm.s32 @!p1 $0x0  }
0x14: {  	s2 =	sld [smem:$0x3F9C];
	s0 =	simm.s32 @p1 $0x1  }
0x15: {  	[smem:$0x3FB9] =	sst s0;
	s0 =	simm.s32 @!p2 $0x0  }
0x16: {  	s3 =	sld [smem:$0x3FDB];
	s0 =	simm.s32 @p2 $0x1  }
0x17: {  	s4 =	simm.s32 $0x1BF5;
	[smem:$0x3FBB] =	sst s0  }
0x18: {  	s0 =	sld [smem:$0x3F9E];
	_ =	swait.ge [sflag:s4], $0x0  }
0x19: {  	s7 =	sld [smem:$0x3F9F]  }
0x1a: {  	s8 =	sadd.s32 $0xFFFFE003, lr  }
0x1b: {  	s9 =	sadd.s32 $0xFFFFFEF7, lr;
	s5 =	simm.s32 $0xFFFFFFFF;
	p2 =	slt.u32 s8, $0xFFFFF086  }
0x1c: {  	p1 =	slt.u32 s9, $0xF7A;
	s5 =	simm.s32 @!p2 $0x0  }
0x1d: {  	s5 =	simm.s32 @p1 $0x1;
	p0 =	seq.s32 s7, s2  }
0x1e: {  	s7 =	smul.u32 @!p0 $0xF7A, s2;
	p2 =	seq.s32 @!p0 s5, $0x0  }
0x1f: {  	s9 =	smul.u32 $0xF7A, s1;
	s8 =	simm.s32 @!p0 $0x1BF5;
	p2 =	por !p2, p0  }
0x20: {  	[sflag:s8] =	ssyncset.s32 @!p0 $0xFFFFF086;
	s6 =	sadd.s32 @!p0 s3, s7;
	s7 =	simm.s32 @!p0 $0x108  }
0x21: {  	s3 =	sadd.s32 s3, s9;
	s6 =	sadd.s32 @!p0 $0x88, s6;
	s7 =	simm.s32 @p2 $0x1082  }
0x22: {  	[simem:s7], [sflag:s8] =	dma.local @!p0 [hbm:s6], $0xF7A  }
0x23: {  	s9 =	sor.u32 $0xD0000000, s2;
	s6 =	simm.s32 $0x108;
	_ =	swait.ge @!p0 [sflag:s8], $0x0  }
0x24: {  	s3 =	sadd.s32 $0x88, s3;
	s6 =	simm.s32 @!p1 $0x1082;
	[sflag:s4] =	ssyncset.s32 $0xFFFFF086  }
0x25: {  	[simem:s6], [sflag:s4] =	dma.local [hbm:s3], $0xF7A  }
0x26: {  	[smem:$0x3F9F] =	sst s1;
	(tag) =	ssettag s2;
	_ =	strace s9  }
0x27: {  	s1 =	sld [smem:$0x3FAF]  }
0x28: {  	s2 =	sld [smem:$0x3FB0]  }
0x29: {  	s4 =	sld [smem:$0x3FB2]  }
0x2a: {  	p0 =	seq.s32 s5, $0x0;
	s5 =	sld [smem:$0x3FB3]  }
0x2b: {  	s6 =	sld [smem:$0x3FB4]  }
0x2c: {  	s7 =	sld [smem:$0x3FB5]  }
0x2d: {  	s3 =	simm.s32 $0x108;
	s8 =	sld [smem:$0x3FB6]  }
0x2e: {  	s3 =	simm.s32 @!p0 $0x1082;
	s9 =	sld [smem:$0x3FB7]  }
0x2f: {  	lr =	sadd.s32 s0, s3;
	s0 =	sld [smem:$0x3FAE]  }
0x30: {  	s3 =	sld [smem:$0x3FB1]  }
0x31: {  	[smem:$0x3FBA] =	sst s10  }
0x32: {  	s10 =	sld [smem:$0x3FB8];
	_ =	sdelay $0x3  }
0x33: {  	p0 =	seq.s32 s10, $0x1;
	s10 =	sld [smem:$0x3FBA];
	_ =	sdelay $0x3  }
0x34: {  	[smem:$0x3FBA] =	sst s10  }
0x35: {  	s10 =	sld [smem:$0x3FB9];
	_ =	sdelay $0x3  }
0x36: {  	p1 =	seq.s32 s10, $0x1;
	s10 =	sld [smem:$0x3FBA];
	_ =	sdelay $0x3  }
0x37: {  	[smem:$0x3FBA] =	sst s10  }
0x38: {  	s10 =	sld [smem:$0x3FBB]  }
0x39: {  	_ = 	snop;
	(pc) =	sbr.ind lr, $3  }
0x3a: {  	_ = 	snop  }
0x3b: {  	_ = 	snop  }
0x3c: {  	p2 =	seq.s32 s10, $0x1;
	s10 =	sld [smem:$0x3FBA]  }
0x3d: {  	_ =	shalt  }
0x3e: {  	_ =	shalt  }
0x3f: {  	_ =	shalt  }
0x40: {  	_ =	shalt  }
0x41: {  	_ =	shalt  }
0x42: {  	_ =	shalt  }
0x43: {  	_ =	shalt  }
0x44: {  	_ =	shalt  }
0x45: {  	_ =	shalt  }
0x46: {  	_ =	shalt  }
0x47: {  	_ =	shalt  }
0x48: {  	_ =	shalt  }
0x49: {  	_ =	shalt  }
0x4a: {  	_ =	shalt  }
0x4b: {  	_ =	shalt  }
0x4c: {  	_ =	shalt  }
0x4d: {  	_ =	shalt  }
0x4e: {  	_ =	shalt  }
0x4f: {  	_ =	shalt  }
0x50: {  	_ =	shalt  }
0x51: {  	_ =	shalt  }
0x52: {  	_ =	shalt  }
0x53: {  	_ =	shalt  }
0x54: {  	_ =	shalt  }
0x55: {  	_ =	shalt  }
0x56: {  	_ =	shalt  }
0x57: {  	_ =	shalt  }
0x58: {  	_ =	shalt  }
0x59: {  	_ =	shalt  }
0x5a: {  	_ =	shalt  }
0x5b: {  	_ =	shalt  }
0x5c: {  	_ =	shalt  }
0x5d: {  	_ =	shalt  }
0x5e: {  	_ =	shalt  }
0x5f: {  	_ =	shalt  }
0x60: {  	_ =	shalt  }
0x61: {  	_ =	shalt  }
0x62: {  	_ =	shalt  }
0x63: {  	_ =	shalt  }
0x64: {  	_ =	shalt  }
0x65: {  	_ =	shalt  }
0x66: {  	_ =	shalt  }
0x67: {  	_ =	shalt  }
0x68: {  	_ =	shalt  }
0x69: {  	_ =	shalt  }
0x6a: {  	_ =	shalt  }
0x6b: {  	_ =	shalt  }
0x6c: {  	_ =	shalt  }
0x6d: {  	_ =	shalt  }
0x6e: {  	_ =	shalt  }
0x6f: {  	_ =	shalt  }
0x70: {  	_ =	shalt  }
0x71: {  	_ =	shalt  }
0x72: {  	_ =	shalt  }
0x73: {  	_ =	shalt  }
0x74: {  	_ =	shalt  }
0x75: {  	_ =	shalt  }
0x76: {  	_ =	shalt  }
0x77: {  	_ =	shalt  }
0x78: {  	_ =	shalt  }
0x79: {  	_ =	shalt  }
0x7a: {  	_ =	shalt  }
0x7b: {  	_ =	shalt  }
0x7c: {  	_ =	shalt  }
0x7d: {  	_ =	shalt  }
0x7e: {  	_ =	shalt  }
0x7f: {  	_ =	shalt  }
0x80: {  	_ =	shalt  }
0x81: {  	_ =	shalt  }
0x82: {  	_ =	shalt  }
0x83: {  	_ =	shalt  }
0x84: {  	_ =	shalt  }
0x85: {  	_ =	shalt  }
0x86: {  	_ =	shalt  }
0x87: {  	_ =	shalt  }
.Lfunc_end0:
.L_simem_size_0:
called_computation.1_lowered:
.L_overlay_start_0:
0x88: {  	s2 =	sld [smem:$0x3FD9]  }
0x89: {  	s3 =	sld [smem:$0x3FFE];
	_ =	sdelay $0x1  }
0x8a: {  	s1 =	srdreg.scid  }
0x8b: {  	s0 =	sand.u32 $0x1, s1  }
0x8c: {  	s17 =	sshll.u32 s0, $0xA;
	s2 =	sadd.s32 s3, s2  }
0x8d: {  	s2 =	sadd.s32 s2, s17  }
0x8e: {  	[smem:$0x3FC6] =	sst s2  }
0x8f: {  	_ = 	snop  }
0x90: {  	s2 =	sld [smem:$0x3FD0];
	(tm) =	ssettm $0x1  }
0x91: {  	s18 =	sld [smem:$0x3FFB];
	_ =	sdelay $0x3  }
0x92: {  	_ =	strace s18  }
0x93: {  	s3 =	sld [smem:$0x3FFC];
	_ =	sdelay $0x3  }
0x94: {  	_ =	strace s3  }
0x95: {  	s3 =	sld [smem:$0x3FFD];
	_ =	sdelay $0x3  }
0x96: {  	_ =	strace s3  }
0x97: {  	_ =	strace $0x8FFFFFFF  }
0x98: {  	s19 =	sld [smem:$0x3FDB];
	_ =	sdelay $0x1  }
0x99: {  	s4 =	simm.s32 $_scs_section_size  }
0x9a: {  	s5 =	simm.s32 $_size__tile_overlayer_lowered;
	s6 =	simm.s32 $_tile_overlayer_lowered  }
0x9b: {  	s22 =	simm.s32 $0x1BFF;
	s21 =	sshll.u32 s6, $0x1;
	s3 =	sadd.s32 s4, s19  }
0x9c: {  	s7 =	simm.s32 $0x0;
	s20 =	sshll.u32 s5, $0x1;
	s5 =	sadd.s32 s21, s3  }
0x9d: {  	[timem:s7], [sflag:s22] =	dma.local [hbm:s5], s20  }
0x9e: {  	_ =	swait.ge [sflag:s22], s20  }
0x9f: {  	s4 =	ssub.s32 $0x0, s20;
	[sflag:s22] =	ssyncset.done $0x0  }
0xa0: {  	[sflag:s22] =	ssyncadd.s32 s4;
	_ =	sdelay $0x1  }
0xa1: {  	s23 =	simm.s32 $0x1B8B  }
0xa2: {  	_ =	swait.ge [sflag:s23], $0x1  }
0xa3: {  	[sflag:s23] =	ssyncset.done $0x0  }
0xa4: {  	s25 =	simm.s32 $0x1B8E;
	s24 =	sld [smem:$0x3FFE];
	[sflag:s23] =	ssyncadd.s32 $0xFFFFFFFF  }
0xa5: {  	s26 =	simm.s32 $execute0_lowered;
	[smem:$0x3FD2] =	sst s25  }
0xa6: {  	s5 =	sshll.u32 s26, $0x1;
	_ =	strace $0x80000046;
	[dreg:$0x1] =	wrdreg $0xFFFFFFFF  }
0xa7: {  	s28 =	simm.s32 $_size_execute0_lowered;
	s3 =	sadd.s32 s3, s5;
	[dreg:$0x0] =	wrdreg $0x0  }
0xa8: {  	s5 =	sshll.u32 s28, $0x1;
	[dreg:$0x2] =	wrdreg s3  }
0xa9: {  	[dreg:$0x3] =	wrdreg s5  }
0xaa: {  	[dreg:$0x4] =	wrdreg $0xC0  }
0xab: {  	_ =	task [dreg:s7], $0x5FFFF  }
0xac: {  	[dreg:$0x1] =	wrdreg $0xFFFFFFFF  }
0xad: {  	[dreg:$0x0] =	wrdreg $0x60  }
0xae: {  	[dreg:$0x2] =	wrdreg s24  }
0xaf: {  	[dreg:$0x3] =	wrdreg s2  }
0xb0: {  	[dreg:$0x4] =	wrdreg $0x9  }
0xb1: {  	_ =	task.clear_ibuf [dreg:s7], $0x5FFFF;
	_ =	strace $0x90000046  }
0xb2: {  	s29 =	simm.s32 $0x9;
	_ =	strace $0x80000048  }
0xb3: {  	_ =	swait.ge [sflag:s29], $0x1  }
0xb4: {  	[sflag:s29] =	ssyncadd.s32 $0xFFFFFFFF  }
0xb5: {  	_ =	strace $0x90000048  }
0xb6: {  	_ =	sfence  }
0xb7: {  	s30 =	sld [smem:$0x0];
	_ =	sdelay $0x2  }
0xb8: {  	s31 =	sshll.u32 s1, $0xD;
	s1 =	sshrl.u32 s1, $0x2  }
0xb9: {  	s3 =	sand.u32 $0x4000, s31;
	s1 =	sadd.s32 s1, s30  }
0xba: {  	s0 =	sor.u32 s3, s0;
	s1 =	sshll.u32 s1, $0x11  }
0xbb: {  	s0 =	sor.u32 s1, s0  }
0xbc: {  	s0 =	sadd.s32 $0x8F2B, s0  }
0xbd: {  	[sflag:s0] =	ssyncadd.remote.s32 $0x1  }
0xbe: {  	_ =	sfence.sel $0xFFFF  }
0xbf: {  	[dreg:$0x0] =	wrdreg $0xFFFFFFFF;
	(pc) =	sbr.abs _section_cstart, $3  }
0xc0: {  	[dreg:$0x1] =	wrdreg $0xFFFFFFFF  }
0xc1: {  	_ =	task.clear_ibuf [dreg:s7], $0x2FFFF;
	_ =	strace $0x9FFFFFFF  }
0xc2: {  	(tm) =	ssettm $0x7FFFFFFF  }
0xc3: {  	_ =	shalt  }
tec
execute0_lowered:
.L_overlay_start_1:
0x0: {  	(tag) =	ssettag $0x1  }
0x1: {  	s5 =	rddreg [dreg:$0x0];
	s1 =	srdreg.scid  }
0x2: {  	s0 =	stileid.u32;
	s2 =	rddreg [dreg:$0x1];
	s3 =	simm.s32 $0x0  }
0x3: {  	s9 =	simm.s32 $0x5;
	s10 =	simm.s32 $0x80;
	s11 =	simm.s32 $0x1900  }
0x4: {  	s12 =	simm.s32 $0x3900;
	s13 =	simm.s32 $0x1;
	s14 =	simm.s32 $0x5900  }
0x5: {  	s15 =	simm.s32 $0x2;
	s16 =	simm.s32 $0x7900;
	s17 =	simm.s32 $0x3  }
0x6: {  	s18 =	simm.s32 $0x4;
	s4 =	sand.u32 $0x1, s1;
	s6 =	sshll.u32 s0, $0x1  }
0x7: {  	s19 =	simm.s32 $0x0;
	s1 =	rddreg [dreg:$0x2];
	s6 =	sor.u32 s4, s6  }
0x8: {  	[smem:$0x7FF] =	sst s3;
	s8 =	ssub.s32 $0x2, s4;
	s7 =	smul.u32 $0x320, s6  }
0x9: {  	_ =	strace $0x80000047;
	s4 =	smul.u32 $0x32, s6;
	s31 =	sshrl.u32 s8, $0x1  }
0xa: {  	s8 =	ssub.s32 s8, s31;
	s30 =	sadd.s32 s7, s5;
	s5 =	sadd.s32 $0xF42E00, s5  }
0xb: {  	s7 =	sor.u32 $0x1, s4;
	s8 =	smax.u32 s8, $0x1;
	s6 =	sadd.s32 $0xA00, s30  }
.LBB2_1:
0xc: {  	[tilespmem:s3], [sflag:$0x5] =	stream.linear.gather [hbm4b:s6+s3], $0x1900, $0x38;
	[tilespmem:$0x9900] =	vst v63  }
0xd: {  	_ =	swait.ge [sflag:s9], $0x1900  }
0xe: {  	[sflag:s9] =	ssyncset.done $0x0  }
0xf: {  	[sflag:s9] =	ssyncadd.s32 $0xFFFFE700  }
0x10: {  	[tilespmem:s11], [sflag:$0x1] =	stream.indirect.gather [hbm4b:s5+s10], $0x40, s3, s10, $0xb8;
	[tilespmem:$0x9900] =	vst v63  }
0x11: {  	s20 =	simm.s32 $0x0  }
0x12: {  	[tilespmem:s12], [sflag:$0x2] =	stream.indirect.gather [hbm4b:s5+s10], $0x40, s10, s10, $0xb8;
	[tilespmem:$0x9900] =	vst v63  }
.LBB2_2:
0x13: {  	_ =	swait.ge [sflag:s13], $0x2000  }
0x14: {  	p1 =	seq.s32 s20, $0x0;
	[sflag:s13] =	ssyncset.done $0x0  }
0x15: {  	s21 =	simm.s32 @!p1 $0x3;
	[sflag:s13] =	ssyncadd.s32 $0xFFFFE000  }
0x16: {  	_ =	swait.ge @!p1 [sflag:s21], $0x2000  }
0x17: {  	[sflag:s21] =	ssyncset.done @!p1 $0x0  }
0x18: {  	s22 =	simm.s32 $0xFFFFF800;
	[sflag:s21] =	ssyncadd.s32 @!p1 $0xFFFFE000  }
0x19: {  	v0 =	vld [tilespmem:s22+$0x3970]  }
0x1a: {  	v1 =	vld [tilespmem:s22+$0x2100];
	_ =	sdelay $0x1  }
0x1b: {  	v2 =	vld [tilespmem:s22+$0x2140]  }
0x1c: {  	v3 =	vld [tilespmem:s22+$0x2110]  }
0x1d: {  	v4 =	vld [tilespmem:s22+$0x2150];
	v0 =	vmul.f32 $8.000000000e+00, v0  }
0x1e: {  	v5 =	vld [tilespmem:s22+$0x2120];
	v1 =	vmul.f32 $8.000000000e+00, v1  }
0x1f: {  	v6 =	vld [tilespmem:s22+$0x2160];
	[tilespmem:s22+$0x7970] =	vst v0  }
0x20: {  	v0 =	vmul.f32 $8.000000000e+00, v2;
	[tilespmem:s22+$0x6100] =	vst v1;
	v1 =	vld [tilespmem:s22+$0x2170]  }
0x21: {  	v7 =	vld [tilespmem:s22+$0x2130];
	v2 =	vmul.f32 $8.000000000e+00, v3  }
0x22: {  	v3 =	vmul.f32 $8.000000000e+00, v4;
	[tilespmem:s22+$0x6140] =	vst v0;
	v0 =	vld [tilespmem:s22+$0x2900]  }
0x23: {  	v4 =	vmul.f32 $8.000000000e+00, v5;
	[tilespmem:s22+$0x6110] =	vst v2;
	v2 =	vld [tilespmem:s22+$0x2940]  }
0x24: {  	v5 =	vmul.f32 $8.000000000e+00, v6;
	[tilespmem:s22+$0x6150] =	vst v3;
	v3 =	vld [tilespmem:s22+$0x2910]  }
0x25: {  	[tilespmem:s22+$0x6120] =	vst v4;
	v4 =	vld [tilespmem:s22+$0x2950];
	v1 =	vmul.f32 $8.000000000e+00, v1  }
0x26: {  	v6 =	vmul.f32 $8.000000000e+00, v7;
	[tilespmem:s22+$0x6160] =	vst v5;
	v5 =	vld [tilespmem:s22+$0x2920]  }
0x27: {  	v0 =	vmul.f32 $8.000000000e+00, v0;
	[tilespmem:s22+$0x6170] =	vst v1;
	v1 =	vld [tilespmem:s22+$0x2930]  }
0x28: {  	[tilespmem:s22+$0x6130] =	vst v6;
	v6 =	vld [tilespmem:s22+$0x2960];
	v2 =	vmul.f32 $8.000000000e+00, v2  }
0x29: {  	v3 =	vmul.f32 $8.000000000e+00, v3;
	[tilespmem:s22+$0x6900] =	vst v0;
	v0 =	vld [tilespmem:s22+$0x2970]  }
0x2a: {  	v4 =	vmul.f32 $8.000000000e+00, v4;
	[tilespmem:s22+$0x6940] =	vst v2;
	v2 =	vld [tilespmem:s22+$0x3100]  }
0x2b: {  	v5 =	vmul.f32 $8.000000000e+00, v5;
	[tilespmem:s22+$0x6910] =	vst v3;
	v3 =	vld [tilespmem:s22+$0x3140]  }
0x2c: {  	[tilespmem:s22+$0x6950] =	vst v4;
	v4 =	vld [tilespmem:s22+$0x3110];
	v1 =	vmul.f32 $8.000000000e+00, v1  }
0x2d: {  	v6 =	vmul.f32 $8.000000000e+00, v6;
	[tilespmem:s22+$0x6920] =	vst v5;
	v5 =	vld [tilespmem:s22+$0x3150]  }
0x2e: {  	v0 =	vmul.f32 $8.000000000e+00, v0;
	[tilespmem:s22+$0x6930] =	vst v1;
	v1 =	vld [tilespmem:s22+$0x3160]  }
0x2f: {  	[tilespmem:s22+$0x6960] =	vst v6;
	v6 =	vld [tilespmem:s22+$0x3120];
	v2 =	vmul.f32 $8.000000000e+00, v2  }
0x30: {  	[tilespmem:s22+$0x6970] =	vst v0;
	v0 =	vmul.f32 $8.000000000e+00, v3;
	v3 =	vld [tilespmem:s22+$0x3170]  }
0x31: {  	v7 =	vld [tilespmem:s22+$0x3130];
	[tilespmem:s22+$0x7100] =	vst v2;
	v2 =	vmul.f32 $8.000000000e+00, v4  }
0x32: {  	v4 =	vld [tilespmem:s22+$0x3900];
	[tilespmem:s22+$0x7140] =	vst v0;
	v0 =	vmul.f32 $8.000000000e+00, v5  }
0x33: {  	v8 =	vld [tilespmem:s22+$0x3940];
	[tilespmem:s22+$0x7110] =	vst v2;
	v5 =	vmul.f32 $8.000000000e+00, v1  }
0x34: {  	v2 =	vmul.f32 $8.000000000e+00, v6;
	[tilespmem:s22+$0x7150] =	vst v0;
	v0 =	vld [tilespmem:s22+$0x3910]  }
0x35: {  	v1 =	vld [tilespmem:s22+$0x3950];
	[tilespmem:s22+$0x7160] =	vst v5;
	v5 =	vmul.f32 $8.000000000e+00, v3  }
0x36: {  	v6 =	vmul.f32 $8.000000000e+00, v7;
	[tilespmem:s22+$0x7120] =	vst v2;
	v2 =	vld [tilespmem:s22+$0x3920]  }
0x37: {  	v3 =	vld [tilespmem:s22+$0x3960];
	[tilespmem:s22+$0x7170] =	vst v5;
	v5 =	vmul.f32 $8.000000000e+00, v4  }
0x38: {  	s23 =	simm.s32 $0xFFFFF880;
	s24 =	simm.s32 $0xFFFFE400;
	s21 =	sshll.u32 s20, $0x1;
	[tilespmem:s22+$0x7130] =	vst v6;
	v6 =	vmul.f32 $8.000000000e+00, v8;
	v4 =	vld [tilespmem:s22+$0x3930]  }
.LBB2_3:
0x39: {  	p0 =	sne.s32 s24, $0xFFFFFE00;
	v7 =	vld [tilespmem:s23+$0x3970];
	[tilespmem:s22+$0x7900] =	vst v5;
	v0 =	vmul.f32 $8.000000000e+00, v0  }
0x3a: {  	v5 =	vld [tilespmem:s23+$0x2100];
	[tilespmem:s22+$0x7940] =	vst v6;
	v1 =	vmul.f32 $8.000000000e+00, v1  }
0x3b: {  	v6 =	vld [tilespmem:s23+$0x2140];
	[tilespmem:s22+$0x7910] =	vst v0;
	v0 =	vmul.f32 $8.000000000e+00, v2  }
0x3c: {  	v2 =	vld [tilespmem:s23+$0x2110];
	[tilespmem:s22+$0x7950] =	vst v1;
	v1 =	vmul.f32 $8.000000000e+00, v3  }
0x3d: {  	v3 =	vld [tilespmem:s23+$0x2150];
	[tilespmem:s22+$0x7920] =	vst v0;
	v0 =	vmul.f32 $8.000000000e+00, v4  }
0x3e: {  	v4 =	vld [tilespmem:s23+$0x2120];
	v7 =	vmul.f32 $8.000000000e+00, v7;
	[tilespmem:s22+$0x7960] =	vst v1  }
0x3f: {  	v1 =	vmul.f32 $8.000000000e+00, v5;
	v5 =	vld [tilespmem:s23+$0x2160];
	[tilespmem:s22+$0x7930] =	vst v0;
	s22 =	smov.u32 s23  }
0x40: {  	v0 =	vmul.f32 $8.000000000e+00, v6;
	v6 =	vld [tilespmem:s22+$0x2130];
	[tilespmem:s22+$0x7970] =	vst v7  }
0x41: {  	[tilespmem:s22+$0x6100] =	vst v1;
	v1 =	vmul.f32 $8.000000000e+00, v2;
	v2 =	vld [tilespmem:s22+$0x2170]  }
0x42: {  	[tilespmem:s22+$0x6140] =	vst v0;
	v0 =	vmul.f32 $8.000000000e+00, v3;
	v3 =	vld [tilespmem:s22+$0x2900]  }
0x43: {  	[tilespmem:s22+$0x6110] =	vst v1;
	v1 =	vmul.f32 $8.000000000e+00, v4;
	v4 =	vld [tilespmem:s22+$0x2940]  }
0x44: {  	[tilespmem:s22+$0x6150] =	vst v0;
	v0 =	vmul.f32 $8.000000000e+00, v5;
	v5 =	vld [tilespmem:s22+$0x2910]  }
0x45: {  	[tilespmem:s22+$0x6120] =	vst v1;
	v1 =	vmul.f32 $8.000000000e+00, v6;
	v6 =	vld [tilespmem:s22+$0x2950]  }
0x46: {  	[tilespmem:s22+$0x6160] =	vst v0;
	v0 =	vmul.f32 $8.000000000e+00, v2;
	v2 =	vld [tilespmem:s22+$0x2920]  }
0x47: {  	[tilespmem:s22+$0x6130] =	vst v1;
	v1 =	vmul.f32 $8.000000000e+00, v3;
	v3 =	vld [tilespmem:s22+$0x2960]  }
0x48: {  	[tilespmem:s22+$0x6170] =	vst v0;
	v0 =	vmul.f32 $8.000000000e+00, v4;
	v4 =	vld [tilespmem:s22+$0x2930]  }
0x49: {  	[tilespmem:s22+$0x6900] =	vst v1;
	v1 =	vmul.f32 $8.000000000e+00, v5;
	v5 =	vld [tilespmem:s22+$0x2970]  }
0x4a: {  	[tilespmem:s22+$0x6940] =	vst v0;
	v0 =	vmul.f32 $8.000000000e+00, v6;
	v6 =	vld [tilespmem:s22+$0x3100]  }
0x4b: {  	[tilespmem:s22+$0x6910] =	vst v1;
	v1 =	vmul.f32 $8.000000000e+00, v2;
	v2 =	vld [tilespmem:s22+$0x3140]  }
0x4c: {  	[tilespmem:s22+$0x6950] =	vst v0;
	v0 =	vmul.f32 $8.000000000e+00, v3;
	v3 =	vld [tilespmem:s22+$0x3110]  }
0x4d: {  	[tilespmem:s22+$0x6920] =	vst v1;
	v1 =	vmul.f32 $8.000000000e+00, v4;
	v4 =	vld [tilespmem:s22+$0x3150]  }
0x4e: {  	[tilespmem:s22+$0x6960] =	vst v0;
	v0 =	vmul.f32 $8.000000000e+00, v5;
	v5 =	vld [tilespmem:s22+$0x3120]  }
0x4f: {  	[tilespmem:s22+$0x6930] =	vst v1;
	v1 =	vmul.f32 $8.000000000e+00, v6;
	v6 =	vld [tilespmem:s22+$0x3160]  }
0x50: {  	[tilespmem:s22+$0x6970] =	vst v0;
	v0 =	vmul.f32 $8.000000000e+00, v2;
	v2 =	vld [tilespmem:s22+$0x3130]  }
0x51: {  	[tilespmem:s22+$0x7100] =	vst v1;
	v1 =	vmul.f32 $8.000000000e+00, v3;
	v3 =	vld [tilespmem:s22+$0x3170]  }
0x52: {  	[tilespmem:s22+$0x7140] =	vst v0;
	v0 =	vmul.f32 $8.000000000e+00, v4;
	v4 =	vld [tilespmem:s22+$0x3900]  }
0x53: {  	[tilespmem:s22+$0x7110] =	vst v1;
	v1 =	vmul.f32 $8.000000000e+00, v5;
	v7 =	vld [tilespmem:s22+$0x3940]  }
.Ltmp0:
0x54: {  	[tilespmem:s22+$0x7150] =	vst v0;
	v5 =	vmul.f32 $8.000000000e+00, v6;
	v0 =	vld [tilespmem:s22+$0x3910];
	(pc) =	sbr.rel @p0 .LBB2_3-.Ltmp0, $4  }
0x55: {  	[tilespmem:s22+$0x7120] =	vst v1;
	v6 =	vmul.f32 $8.000000000e+00, v2;
	v1 =	vld [tilespmem:s22+$0x3950]  }
0x56: {  	[tilespmem:s22+$0x7160] =	vst v5;
	v8 =	vmul.f32 $8.000000000e+00, v3;
	v2 =	vld [tilespmem:s22+$0x3920]  }
0x57: {  	[tilespmem:s22+$0x7130] =	vst v6;
	v5 =	vmul.f32 $8.000000000e+00, v4;
	v3 =	vld [tilespmem:s22+$0x3960]  }
0x58: {  	s23 =	sshra.s32 s24, $0x2;
	s24 =	sadd.s32 $0x200, s24;
	[tilespmem:s22+$0x7170] =	vst v8;
	v6 =	vmul.f32 $8.000000000e+00, v7;
	v4 =	vld [tilespmem:s22+$0x3930]  }
0x59: {  	v7 =	vld [tilespmem:s23+$0x3970];
	[tilespmem:s22+$0x7900] =	vst v5;
	v0 =	vmul.f32 $8.000000000e+00, v0  }
0x5a: {  	v5 =	vld [tilespmem:s23+$0x2100];
	[tilespmem:s22+$0x7940] =	vst v6;
	v1 =	vmul.f32 $8.000000000e+00, v1  }
0x5b: {  	v6 =	vld [tilespmem:s23+$0x2140];
	[tilespmem:s22+$0x7910] =	vst v0;
	v2 =	vmul.f32 $8.000000000e+00, v2  }
0x5c: {  	v0 =	vld [tilespmem:s23+$0x2110];
	[tilespmem:s22+$0x7950] =	vst v1;
	v3 =	vmul.f32 $8.000000000e+00, v3  }
0x5d: {  	v1 =	vld [tilespmem:s23+$0x2150];
	[tilespmem:s22+$0x7920] =	vst v2;
	v4 =	vmul.f32 $8.000000000e+00, v4  }
0x5e: {  	v2 =	vld [tilespmem:s23+$0x2120];
	[tilespmem:s22+$0x7960] =	vst v3;
	v7 =	vmul.f32 $8.000000000e+00, v7  }
0x5f: {  	v3 =	vld [tilespmem:s23+$0x2160];
	[tilespmem:s22+$0x7930] =	vst v4;
	v4 =	vmul.f32 $8.000000000e+00, v5  }
0x60: {  	v5 =	vld [tilespmem:s23+$0x2130];
	[tilespmem:s23+$0x7970] =	vst v7;
	v6 =	vmul.f32 $8.000000000e+00, v6  }
0x61: {  	[tilespmem:s23+$0x6100] =	vst v4;
	v4 =	vld [tilespmem:s23+$0x2170];
	v0 =	vmul.f32 $8.000000000e+00, v0  }
0x62: {  	[tilespmem:s23+$0x6140] =	vst v6;
	v6 =	vld [tilespmem:s23+$0x2900];
	v1 =	vmul.f32 $8.000000000e+00, v1  }
0x63: {  	[tilespmem:s23+$0x6110] =	vst v0;
	v0 =	vld [tilespmem:s23+$0x2940];
	v2 =	vmul.f32 $8.000000000e+00, v2  }
0x64: {  	[tilespmem:s23+$0x6150] =	vst v1;
	v1 =	vld [tilespmem:s23+$0x2910];
	v3 =	vmul.f32 $8.000000000e+00, v3  }
0x65: {  	[tilespmem:s23+$0x6120] =	vst v2;
	v2 =	vld [tilespmem:s23+$0x2950];
	v5 =	vmul.f32 $8.000000000e+00, v5  }
0x66: {  	[tilespmem:s23+$0x6160] =	vst v3;
	v3 =	vld [tilespmem:s23+$0x2920];
	v4 =	vmul.f32 $8.000000000e+00, v4  }
0x67: {  	[tilespmem:s23+$0x6130] =	vst v5;
	v5 =	vld [tilespmem:s23+$0x2960];
	v6 =	vmul.f32 $8.000000000e+00, v6  }
0x68: {  	[tilespmem:s23+$0x6170] =	vst v4;
	v4 =	vld [tilespmem:s23+$0x2930];
	v0 =	vmul.f32 $8.000000000e+00, v0  }
0x69: {  	[tilespmem:s23+$0x6900] =	vst v6;
	v6 =	vld [tilespmem:s23+$0x2970];
	v1 =	vmul.f32 $8.000000000e+00, v1  }
0x6a: {  	[tilespmem:s23+$0x6940] =	vst v0;
	v0 =	vld [tilespmem:s23+$0x3100];
	v2 =	vmul.f32 $8.000000000e+00, v2  }
0x6b: {  	[tilespmem:s23+$0x6910] =	vst v1;
	v1 =	vld [tilespmem:s23+$0x3140];
	v3 =	vmul.f32 $8.000000000e+00, v3  }
0x6c: {  	[tilespmem:s23+$0x6950] =	vst v2;
	v2 =	vld [tilespmem:s23+$0x3110];
	v5 =	vmul.f32 $8.000000000e+00, v5  }
0x6d: {  	[tilespmem:s23+$0x6920] =	vst v3;
	v3 =	vld [tilespmem:s23+$0x3150];
	v4 =	vmul.f32 $8.000000000e+00, v4  }
0x6e: {  	[tilespmem:s23+$0x6960] =	vst v5;
	v5 =	vld [tilespmem:s23+$0x3120];
	v6 =	vmul.f32 $8.000000000e+00, v6  }
0x6f: {  	[tilespmem:s23+$0x6930] =	vst v4;
	v4 =	vld [tilespmem:s23+$0x3160];
	v0 =	vmul.f32 $8.000000000e+00, v0  }
0x70: {  	[tilespmem:s23+$0x6970] =	vst v6;
	v6 =	vld [tilespmem:s23+$0x3130];
	v1 =	vmul.f32 $8.000000000e+00, v1  }
0x71: {  	[tilespmem:s23+$0x7100] =	vst v0;
	v0 =	vld [tilespmem:s23+$0x3170];
	v2 =	vmul.f32 $8.000000000e+00, v2  }
0x72: {  	[tilespmem:s23+$0x7140] =	vst v1;
	v1 =	vld [tilespmem:s23+$0x3900];
	v3 =	vmul.f32 $8.000000000e+00, v3  }
0x73: {  	[tilespmem:s23+$0x7110] =	vst v2;
	v2 =	vld [tilespmem:s23+$0x3940];
	v5 =	vmul.f32 $8.000000000e+00, v5  }
0x74: {  	[tilespmem:s23+$0x7150] =	vst v3;
	v3 =	vld [tilespmem:s23+$0x3910];
	v4 =	vmul.f32 $8.000000000e+00, v4  }
0x75: {  	[tilespmem:s23+$0x7120] =	vst v5;
	v5 =	vld [tilespmem:s23+$0x3950];
	v6 =	vmul.f32 $8.000000000e+00, v6  }
0x76: {  	[tilespmem:s23+$0x7160] =	vst v4;
	v4 =	vld [tilespmem:s23+$0x3920];
	v0 =	vmul.f32 $8.000000000e+00, v0  }
0x77: {  	[tilespmem:s23+$0x7130] =	vst v6;
	v6 =	vld [tilespmem:s23+$0x3960];
	v1 =	vmul.f32 $8.000000000e+00, v1  }
0x78: {  	[tilespmem:s23+$0x7170] =	vst v0;
	v0 =	vmul.f32 $8.000000000e+00, v2;
	v2 =	vld [tilespmem:s23+$0x3930]  }
0x79: {  	[tilespmem:s23+$0x7900] =	vst v1;
	v1 =	vmul.f32 $8.000000000e+00, v3  }
0x7a: {  	[tilespmem:s23+$0x7940] =	vst v0;
	v0 =	vmul.f32 $8.000000000e+00, v5  }
0x7b: {  	[tilespmem:s23+$0x7910] =	vst v1;
	v1 =	vmul.f32 $8.000000000e+00, v4  }
0x7c: {  	p0 =	seq.s32 s20, $0x18;
	[tilespmem:s23+$0x7950] =	vst v0;
	v0 =	vmul.f32 $8.000000000e+00, v6  }
0x7d: {  	s22 =	sshll.u32 @!p0 s20, $0x8;
	[tilespmem:s23+$0x7920] =	vst v1;
	v1 =	vmul.f32 $8.000000000e+00, v2  }
0x7e: {  	s31 =	sadd.s32 s4, s21;
	s22 =	sand.u32 @!p0 $0x3FFFFF00, s22;
	[tilespmem:s23+$0x7960] =	vst v0  }
0x7f: {  	s24 =	simm.s32 @!p0 $0x80;
	s25 =	simm.s32 @!p0 $0x1900;
	[tilespmem:s23+$0x7930] =	vst v1;
	s23 =	sadd.s32 @!p0 $0x100, s22  }
0x80: {  	[tilespmem:s25], [sflag:$0x1] =	stream.indirect.gather @!p0 [hbm4b:s5+s24], $0x40, s23, s24, $0xb8;
	[tilespmem:$0x9900] =	vst v63  }
0x81: {  	s23 =	sshll.u32 s31, $0xA  }
0x82: {  	s23 =	sadd.s32 s2, s23  }
0x83: {  	[hbm4b:s23+s3] =	stream.linear.scatter [tilespmem:s14], [sflag:$0x3], $0x2000, $0x38;
	[tilespmem:$0x9900] =	vst v63  }
0x84: {  	_ =	swait.ge [sflag:s15], $0x2000  }
0x85: {  	[sflag:s15] =	ssyncset.done $0x0  }
0x86: {  	s23 =	simm.s32 @!p1 $0x4;
	[sflag:s15] =	ssyncadd.s32 $0xFFFFE000  }
0x87: {  	_ =	swait.ge @!p1 [sflag:s23], $0x2000  }
0x88: {  	[sflag:s23] =	ssyncset.done @!p1 $0x0  }
0x89: {  	[sflag:s23] =	ssyncadd.s32 @!p1 $0xFFFFE000;
	s23 =	simm.s32 $0xFFFFF800  }
0x8a: {  	v0 =	vld [tilespmem:s23+$0x5970]  }
0x8b: {  	v1 =	vld [tilespmem:s23+$0x4100];
	_ =	sdelay $0x1  }
0x8c: {  	v2 =	vld [tilespmem:s23+$0x4140]  }
0x8d: {  	v3 =	vld [tilespmem:s23+$0x4110]  }
0x8e: {  	v4 =	vld [tilespmem:s23+$0x4150];
	v0 =	vmul.f32 $8.000000000e+00, v0  }
0x8f: {  	v5 =	vld [tilespmem:s23+$0x4120];
	v1 =	vmul.f32 $8.000000000e+00, v1  }
0x90: {  	v6 =	vld [tilespmem:s23+$0x4160];
	[tilespmem:s23+$0x9970] =	vst v0  }
0x91: {  	v0 =	vmul.f32 $8.000000000e+00, v2;
	[tilespmem:s23+$0x8100] =	vst v1;
	v1 =	vld [tilespmem:s23+$0x4170]  }
0x92: {  	v7 =	vld [tilespmem:s23+$0x4130];
	v2 =	vmul.f32 $8.000000000e+00, v3  }
0x93: {  	v3 =	vmul.f32 $8.000000000e+00, v4;
	[tilespmem:s23+$0x8140] =	vst v0;
	v0 =	vld [tilespmem:s23+$0x4900]  }
0x94: {  	v4 =	vmul.f32 $8.000000000e+00, v5;
	[tilespmem:s23+$0x8110] =	vst v2;
	v2 =	vld [tilespmem:s23+$0x4940]  }
0x95: {  	v5 =	vmul.f32 $8.000000000e+00, v6;
	[tilespmem:s23+$0x8150] =	vst v3;
	v3 =	vld [tilespmem:s23+$0x4910]  }
0x96: {  	[tilespmem:s23+$0x8120] =	vst v4;
	v4 =	vld [tilespmem:s23+$0x4950];
	v1 =	vmul.f32 $8.000000000e+00, v1  }
0x97: {  	v6 =	vmul.f32 $8.000000000e+00, v7;
	[tilespmem:s23+$0x8160] =	vst v5;
	v5 =	vld [tilespmem:s23+$0x4920]  }
0x98: {  	v0 =	vmul.f32 $8.000000000e+00, v0;
	[tilespmem:s23+$0x8170] =	vst v1;
	v1 =	vld [tilespmem:s23+$0x4930]  }
0x99: {  	[tilespmem:s23+$0x8130] =	vst v6;
	v6 =	vld [tilespmem:s23+$0x4960];
	v2 =	vmul.f32 $8.000000000e+00, v2  }
0x9a: {  	v3 =	vmul.f32 $8.000000000e+00, v3;
	[tilespmem:s23+$0x8900] =	vst v0;
	v0 =	vld [tilespmem:s23+$0x4970]  }
0x9b: {  	v4 =	vmul.f32 $8.000000000e+00, v4;
	[tilespmem:s23+$0x8940] =	vst v2;
	v2 =	vld [tilespmem:s23+$0x5100]  }
0x9c: {  	v5 =	vmul.f32 $8.000000000e+00, v5;
	[tilespmem:s23+$0x8910] =	vst v3;
	v3 =	vld [tilespmem:s23+$0x5140]  }
0x9d: {  	[tilespmem:s23+$0x8950] =	vst v4;
	v4 =	vld [tilespmem:s23+$0x5110];
	v1 =	vmul.f32 $8.000000000e+00, v1  }
0x9e: {  	v6 =	vmul.f32 $8.000000000e+00, v6;
	[tilespmem:s23+$0x8920] =	vst v5;
	v5 =	vld [tilespmem:s23+$0x5150]  }
0x9f: {  	v0 =	vmul.f32 $8.000000000e+00, v0;
	[tilespmem:s23+$0x8930] =	vst v1;
	v1 =	vld [tilespmem:s23+$0x5160]  }
0xa0: {  	[tilespmem:s23+$0x8960] =	vst v6;
	v6 =	vld [tilespmem:s23+$0x5120];
	v2 =	vmul.f32 $8.000000000e+00, v2  }
0xa1: {  	[tilespmem:s23+$0x8970] =	vst v0;
	v0 =	vmul.f32 $8.000000000e+00, v3;
	v3 =	vld [tilespmem:s23+$0x5170]  }
0xa2: {  	v7 =	vld [tilespmem:s23+$0x5130];
	[tilespmem:s23+$0x9100] =	vst v2;
	v2 =	vmul.f32 $8.000000000e+00, v4  }
0xa3: {  	v4 =	vld [tilespmem:s23+$0x5900];
	[tilespmem:s23+$0x9140] =	vst v0;
	v0 =	vmul.f32 $8.000000000e+00, v5  }
0xa4: {  	v8 =	vld [tilespmem:s23+$0x5940];
	[tilespmem:s23+$0x9110] =	vst v2;
	v5 =	vmul.f32 $8.000000000e+00, v1  }
0xa5: {  	v2 =	vmul.f32 $8.000000000e+00, v6;
	[tilespmem:s23+$0x9150] =	vst v0;
	v0 =	vld [tilespmem:s23+$0x5910]  }
0xa6: {  	v1 =	vld [tilespmem:s23+$0x5950];
	[tilespmem:s23+$0x9160] =	vst v5;
	v5 =	vmul.f32 $8.000000000e+00, v3  }
0xa7: {  	v6 =	vmul.f32 $8.000000000e+00, v7;
	[tilespmem:s23+$0x9120] =	vst v2;
	v2 =	vld [tilespmem:s23+$0x5920]  }
0xa8: {  	v3 =	vld [tilespmem:s23+$0x5960];
	[tilespmem:s23+$0x9170] =	vst v5;
	v5 =	vmul.f32 $8.000000000e+00, v4  }
0xa9: {  	s24 =	simm.s32 $0xFFFFF880;
	s25 =	simm.s32 $0xFFFFE400;
	[tilespmem:s23+$0x9130] =	vst v6;
	v6 =	vmul.f32 $8.000000000e+00, v8;
	v4 =	vld [tilespmem:s23+$0x5930]  }
.LBB2_5:
0xaa: {  	p1 =	sne.s32 s25, $0xFFFFFE00;
	v7 =	vld [tilespmem:s24+$0x5970];
	[tilespmem:s23+$0x9900] =	vst v5;
	v0 =	vmul.f32 $8.000000000e+00, v0  }
0xab: {  	v5 =	vld [tilespmem:s24+$0x4100];
	[tilespmem:s23+$0x9940] =	vst v6;
	v1 =	vmul.f32 $8.000000000e+00, v1  }
0xac: {  	v6 =	vld [tilespmem:s24+$0x4140];
	[tilespmem:s23+$0x9910] =	vst v0;
	v0 =	vmul.f32 $8.000000000e+00, v2  }
0xad: {  	v2 =	vld [tilespmem:s24+$0x4110];
	[tilespmem:s23+$0x9950] =	vst v1;
	v1 =	vmul.f32 $8.000000000e+00, v3  }
0xae: {  	v3 =	vld [tilespmem:s24+$0x4150];
	[tilespmem:s23+$0x9920] =	vst v0;
	v0 =	vmul.f32 $8.000000000e+00, v4  }
0xaf: {  	v4 =	vld [tilespmem:s24+$0x4120];
	v7 =	vmul.f32 $8.000000000e+00, v7;
	[tilespmem:s23+$0x9960] =	vst v1  }
0xb0: {  	v1 =	vmul.f32 $8.000000000e+00, v5;
	v5 =	vld [tilespmem:s24+$0x4160];
	[tilespmem:s23+$0x9930] =	vst v0;
	s23 =	smov.u32 s24  }
0xb1: {  	v0 =	vmul.f32 $8.000000000e+00, v6;
	v6 =	vld [tilespmem:s23+$0x4130];
	[tilespmem:s23+$0x9970] =	vst v7  }
0xb2: {  	[tilespmem:s23+$0x8100] =	vst v1;
	v1 =	vmul.f32 $8.000000000e+00, v2;
	v2 =	vld [tilespmem:s23+$0x4170]  }
0xb3: {  	[tilespmem:s23+$0x8140] =	vst v0;
	v0 =	vmul.f32 $8.000000000e+00, v3;
	v3 =	vld [tilespmem:s23+$0x4900]  }
0xb4: {  	[tilespmem:s23+$0x8110] =	vst v1;
	v1 =	vmul.f32 $8.000000000e+00, v4;
	v4 =	vld [tilespmem:s23+$0x4940]  }
0xb5: {  	[tilespmem:s23+$0x8150] =	vst v0;
	v0 =	vmul.f32 $8.000000000e+00, v5;
	v5 =	vld [tilespmem:s23+$0x4910]  }
0xb6: {  	[tilespmem:s23+$0x8120] =	vst v1;
	v1 =	vmul.f32 $8.000000000e+00, v6;
	v6 =	vld [tilespmem:s23+$0x4950]  }
0xb7: {  	[tilespmem:s23+$0x8160] =	vst v0;
	v0 =	vmul.f32 $8.000000000e+00, v2;
	v2 =	vld [tilespmem:s23+$0x4920]  }
0xb8: {  	[tilespmem:s23+$0x8130] =	vst v1;
	v1 =	vmul.f32 $8.000000000e+00, v3;
	v3 =	vld [tilespmem:s23+$0x4960]  }
0xb9: {  	[tilespmem:s23+$0x8170] =	vst v0;
	v0 =	vmul.f32 $8.000000000e+00, v4;
	v4 =	vld [tilespmem:s23+$0x4930]  }
0xba: {  	[tilespmem:s23+$0x8900] =	vst v1;
	v1 =	vmul.f32 $8.000000000e+00, v5;
	v5 =	vld [tilespmem:s23+$0x4970]  }
0xbb: {  	[tilespmem:s23+$0x8940] =	vst v0;
	v0 =	vmul.f32 $8.000000000e+00, v6;
	v6 =	vld [tilespmem:s23+$0x5100]  }
0xbc: {  	[tilespmem:s23+$0x8910] =	vst v1;
	v1 =	vmul.f32 $8.000000000e+00, v2;
	v2 =	vld [tilespmem:s23+$0x5140]  }
0xbd: {  	[tilespmem:s23+$0x8950] =	vst v0;
	v0 =	vmul.f32 $8.000000000e+00, v3;
	v3 =	vld [tilespmem:s23+$0x5110]  }
0xbe: {  	[tilespmem:s23+$0x8920] =	vst v1;
	v1 =	vmul.f32 $8.000000000e+00, v4;
	v4 =	vld [tilespmem:s23+$0x5150]  }
0xbf: {  	[tilespmem:s23+$0x8960] =	vst v0;
	v0 =	vmul.f32 $8.000000000e+00, v5;
	v5 =	vld [tilespmem:s23+$0x5120]  }
0xc0: {  	[tilespmem:s23+$0x8930] =	vst v1;
	v1 =	vmul.f32 $8.000000000e+00, v6;
	v6 =	vld [tilespmem:s23+$0x5160]  }
0xc1: {  	[tilespmem:s23+$0x8970] =	vst v0;
	v0 =	vmul.f32 $8.000000000e+00, v2;
	v2 =	vld [tilespmem:s23+$0x5130]  }
0xc2: {  	[tilespmem:s23+$0x9100] =	vst v1;
	v1 =	vmul.f32 $8.000000000e+00, v3;
	v3 =	vld [tilespmem:s23+$0x5170]  }
0xc3: {  	[tilespmem:s23+$0x9140] =	vst v0;
	v0 =	vmul.f32 $8.000000000e+00, v4;
	v4 =	vld [tilespmem:s23+$0x5900]  }
0xc4: {  	[tilespmem:s23+$0x9110] =	vst v1;
	v1 =	vmul.f32 $8.000000000e+00, v5;
	v7 =	vld [tilespmem:s23+$0x5940]  }
.Ltmp1:
0xc5: {  	[tilespmem:s23+$0x9150] =	vst v0;
	v5 =	vmul.f32 $8.000000000e+00, v6;
	v0 =	vld [tilespmem:s23+$0x5910];
	(pc) =	sbr.rel @p1 .LBB2_5-.Ltmp1, $4  }
0xc6: {  	[tilespmem:s23+$0x9120] =	vst v1;
	v6 =	vmul.f32 $8.000000000e+00, v2;
	v1 =	vld [tilespmem:s23+$0x5950]  }
0xc7: {  	[tilespmem:s23+$0x9160] =	vst v5;
	v8 =	vmul.f32 $8.000000000e+00, v3;
	v2 =	vld [tilespmem:s23+$0x5920]  }
0xc8: {  	[tilespmem:s23+$0x9130] =	vst v6;
	v5 =	vmul.f32 $8.000000000e+00, v4;
	v3 =	vld [tilespmem:s23+$0x5960]  }
0xc9: {  	s24 =	sshra.s32 s25, $0x2;
	s25 =	sadd.s32 $0x200, s25;
	[tilespmem:s23+$0x9170] =	vst v8;
	v6 =	vmul.f32 $8.000000000e+00, v7;
	v4 =	vld [tilespmem:s23+$0x5930]  }
0xca: {  	v7 =	vld [tilespmem:s24+$0x5970];
	[tilespmem:s23+$0x9900] =	vst v5;
	v0 =	vmul.f32 $8.000000000e+00, v0  }
0xcb: {  	v5 =	vld [tilespmem:s24+$0x4100];
	[tilespmem:s23+$0x9940] =	vst v6;
	v1 =	vmul.f32 $8.000000000e+00, v1  }
0xcc: {  	v6 =	vld [tilespmem:s24+$0x4140];
	[tilespmem:s23+$0x9910] =	vst v0;
	v2 =	vmul.f32 $8.000000000e+00, v2  }
0xcd: {  	v0 =	vld [tilespmem:s24+$0x4110];
	[tilespmem:s23+$0x9950] =	vst v1;
	v3 =	vmul.f32 $8.000000000e+00, v3  }
0xce: {  	v1 =	vld [tilespmem:s24+$0x4150];
	[tilespmem:s23+$0x9920] =	vst v2;
	v4 =	vmul.f32 $8.000000000e+00, v4  }
0xcf: {  	v2 =	vld [tilespmem:s24+$0x4120];
	[tilespmem:s23+$0x9960] =	vst v3;
	v7 =	vmul.f32 $8.000000000e+00, v7  }
0xd0: {  	v3 =	vld [tilespmem:s24+$0x4160];
	[tilespmem:s23+$0x9930] =	vst v4;
	v32 =	vmul.f32 $8.000000000e+00, v5  }
0xd1: {  	v33 =	vld [tilespmem:s24+$0x4130];
	[tilespmem:s24+$0x9970] =	vst v7;
	v6 =	vmul.f32 $8.000000000e+00, v6  }
0xd2: {  	v34 =	vld [tilespmem:s24+$0x4170];
	[tilespmem:s24+$0x8100] =	vst v32;
	v0 =	vmul.f32 $8.000000000e+00, v0  }
0xd3: {  	v35 =	vld [tilespmem:s24+$0x4900];
	[tilespmem:s24+$0x8140] =	vst v6;
	v1 =	vmul.f32 $8.000000000e+00, v1  }
0xd4: {  	v36 =	vld [tilespmem:s24+$0x4940];
	[tilespmem:s24+$0x8110] =	vst v0;
	v2 =	vmul.f32 $8.000000000e+00, v2  }
0xd5: {  	v37 =	vld [tilespmem:s24+$0x4910];
	[tilespmem:s24+$0x8150] =	vst v1;
	v3 =	vmul.f32 $8.000000000e+00, v3  }
0xd6: {  	v38 =	vld [tilespmem:s24+$0x4950];
	[tilespmem:s24+$0x8120] =	vst v2;
	v5 =	vmul.f32 $8.000000000e+00, v33  }
0xd7: {  	v52 =	vld [tilespmem:s24+$0x5940];
	v4 =	vmul.f32 $8.000000000e+00, v34;
	[tilespmem:s24+$0x8160] =	vst v3  }
0xd8: {  	v53 =	vld [tilespmem:s24+$0x5910];
	v6 =	vmul.f32 $8.000000000e+00, v35;
	[tilespmem:s24+$0x8130] =	vst v5  }
0xd9: {  	v54 =	vld [tilespmem:s24+$0x5950];
	v0 =	vmul.f32 $8.000000000e+00, v36;
	[tilespmem:s24+$0x8170] =	vst v4  }
0xda: {  	v55 =	vld [tilespmem:s24+$0x5920];
	v1 =	vmul.f32 $8.000000000e+00, v37;
	[tilespmem:s24+$0x8900] =	vst v6  }
0xdb: {  	v56 =	vld [tilespmem:s24+$0x5960];
	v2 =	vmul.f32 $8.000000000e+00, v38;
	[tilespmem:s24+$0x8940] =	vst v0  }
0xdc: {  	v58 =	vld [tilespmem:s24+$0x5930];
	v57 =	vmul.f32 $8.000000000e+00, v52;
	[tilespmem:s24+$0x8910] =	vst v1  }
0xdd: {  	v39 =	vld [tilespmem:s24+$0x4920];
	v59 =	vmul.f32 $8.000000000e+00, v53;
	[tilespmem:s24+$0x8950] =	vst v2  }
0xde: {  	v40 =	vld [tilespmem:s24+$0x4960];
	v60 =	vmul.f32 $8.000000000e+00, v54;
	[tilespmem:s24+$0x9940] =	vst v57  }
0xdf: {  	v41 =	vld [tilespmem:s24+$0x4930];
	v61 =	vmul.f32 $8.000000000e+00, v55;
	[tilespmem:s24+$0x9910] =	vst v59  }
0xe0: {  	v42 =	vld [tilespmem:s24+$0x4970];
	v62 =	vmul.f32 $8.000000000e+00, v56;
	[tilespmem:s24+$0x9950] =	vst v60  }
0xe1: {  	v43 =	vld [tilespmem:s24+$0x5100];
	v63 =	vmul.f32 $8.000000000e+00, v58;
	[tilespmem:s24+$0x9920] =	vst v61  }
0xe2: {  	v44 =	vld [tilespmem:s24+$0x5140];
	v3 =	vmul.f32 $8.000000000e+00, v39;
	[tilespmem:s24+$0x9960] =	vst v62  }
0xe3: {  	v45 =	vld [tilespmem:s24+$0x5110];
	v5 =	vmul.f32 $8.000000000e+00, v40;
	[tilespmem:s24+$0x9930] =	vst v63  }
0xe4: {  	v46 =	vld [tilespmem:s24+$0x5150];
	v4 =	vmul.f32 $8.000000000e+00, v41;
	[tilespmem:s24+$0x8920] =	vst v3  }
0xe5: {  	v47 =	vld [tilespmem:s24+$0x5120];
	v6 =	vmul.f32 $8.000000000e+00, v42;
	[tilespmem:s24+$0x8960] =	vst v5  }
0xe6: {  	v48 =	vld [tilespmem:s24+$0x5160];
	v0 =	vmul.f32 $8.000000000e+00, v43;
	[tilespmem:s24+$0x8930] =	vst v4  }
0xe7: {  	v49 =	vld [tilespmem:s24+$0x5130];
	v1 =	vmul.f32 $8.000000000e+00, v44;
	[tilespmem:s24+$0x8970] =	vst v6  }
0xe8: {  	v50 =	vld [tilespmem:s24+$0x5170];
	v2 =	vmul.f32 $8.000000000e+00, v45;
	[tilespmem:s24+$0x9100] =	vst v0  }
0xe9: {  	v51 =	vld [tilespmem:s24+$0x5900];
	v3 =	vmul.f32 $8.000000000e+00, v46;
	[tilespmem:s24+$0x9140] =	vst v1  }
0xea: {  	[tilespmem:s24+$0x9110] =	vst v2;
	v5 =	vmul.f32 $8.000000000e+00, v47  }
0xeb: {  	v4 =	vmul.f32 $8.000000000e+00, v48;
	[tilespmem:s24+$0x9150] =	vst v3  }
0xec: {  	v6 =	vmul.f32 $8.000000000e+00, v49;
	[tilespmem:s24+$0x9120] =	vst v5  }
0xed: {  	v0 =	vmul.f32 $8.000000000e+00, v50;
	[tilespmem:s24+$0x9160] =	vst v4  }
0xee: {  	v1 =	vmul.f32 $8.000000000e+00, v51;
	[tilespmem:s24+$0x9130] =	vst v6  }
0xef: {  	s22 =	sadd.s32 @!p0 $0x180, s22;
	[tilespmem:s24+$0x9170] =	vst v0  }
0xf0: {  	s20 =	sadd.s32 $0x1, s20;
	s23 =	simm.s32 @!p0 $0x80;
	[tilespmem:s24+$0x9900] =	vst v1;
	s24 =	simm.s32 @!p0 $0x3900  }
0xf1: {  	[tilespmem:s24], [sflag:$0x2] =	stream.indirect.gather @!p0 [hbm4b:s5+s23], $0x40, s22, s23, $0xb8;
	[tilespmem:$0x9900] =	vst v63  }
0xf2: {  	p0 =	sne.s32 s20, $0x19  }
.Ltmp2:
0xf3: {  	s21 =	sadd.s32 s21, s7;
	(pc) =	sbr.rel @p0 .LBB2_2-.Ltmp2, $4  }
0xf4: {  	s21 =	sshll.u32 s21, $0xA  }
0xf5: {  	s21 =	sand.u32 $0x1FFFFC00, s21  }
0xf6: {  	s21 =	sadd.s32 s2, s21  }
0xf7: {  	[hbm4b:s21+s3] =	stream.linear.scatter [tilespmem:s16], [sflag:$0x4], $0x2000, $0x38;
	[tilespmem:$0x9900] =	vst v63  }
0xf8: {  	s19 =	sadd.s32 $0x1, s19  }
0xf9: {  	_ =	swait.ge [sflag:s17], $0x2000;
	p0 =	sne.s32 s19, s8  }
.Ltmp3:
0xfa: {  	[sflag:s17] =	ssyncset.done $0x0;
	(pc) =	sbr.rel @p0 .LBB2_1-.Ltmp3, $4  }
0xfb: {  	[sflag:s17] =	ssyncadd.s32 $0xFFFFE000  }
0xfc: {  	_ =	swait.ge [sflag:s18], $0x2000  }
0xfd: {  	[sflag:s18] =	ssyncset.done $0x0  }
0xfe: {  	[sflag:s18] =	ssyncadd.s32 $0xFFFFE000  }
0xff: {  	_ =	sfence.sel $0x180000  }
0x100: {  	[bflag:$0x0] =	sbarrier.arrive $0xFFFF  }
0x101: {  	p0 =	sne.s32 s0, $0x0;
	_ =	strace $0x90000047  }
0x102: {  	s0 =	sadd.s32 @!p0 $0x100000, s1;
	[bflag:$0x2] =	sbarrier.arrive $0xFFFF  }
0x103: {  	[sflag:s0] =	ssyncadd.tile.s32 @!p0 $0x1;
	_ =	shalt  }
.Lfunc_end2:
_tile_overlayer_lowered:
.L_overlay_start_2:
0x104: {  	(tag) =	ssettag $0x2  }
0x105: {  	s0 =	rddreg [dreg:$0x0];
	s2 =	stileid.u32  }
0x106: {  	s1 =	rddreg [dreg:$0x1];
	p0 =	sne.s32 s2, $0x0  }
0x107: {  	s3 =	rddreg [dreg:$0x2];
	[bflag:$0x3] =	sbarrier.arrive $0xFFFF;
	s2 =	simm.s32 @!p0 $0x1C05  }
0x108: {  	[timem:s3], [sflag:s2] =	dma.local @!p0 [hbm:s0], s1  }
0x109: {  	s0 =	simm.s32 @!p0 $0x5  }
0x10a: {  	_ =	swait.ge @!p0 [sflag:s0], s1  }
0x10b: {  	s1 =	ssub.s32 @!p0 $0x0, s1;
	[sflag:s0] =	ssyncset.done @!p0 $0x0  }
0x10c: {  	[sflag:s0] =	ssyncadd.s32 @!p0 s1  }
0x10d: {  	[bflag:$0x3] =	sbarrier.arrive $0xFFFF  }
0x10e: {  	_ =	shalt  }

// kernel: sparse-core-data-format-call.cloned.1.call-start
scs
called_computation_lowered:
.L_overlay_start_0:
0x0: {  	s2 =	sld [smem:$0x3FD9]  }
0x1: {  	s3 =	sld [smem:$0x3FFE];
	_ =	sdelay $0x1  }
0x2: {  	s1 =	srdreg.scid  }
0x3: {  	s0 =	sand.u32 $0x1, s1  }
0x4: {  	s18 =	sshll.u32 s0, $0xA;
	s2 =	sadd.s32 s3, s2  }
0x5: {  	s2 =	sadd.s32 s2, s18  }
0x6: {  	[smem:$0x3FC6] =	sst s2  }
0x7: {  	_ = 	snop  }
0x8: {  	s2 =	sld [smem:$0x3FD0];
	(tm) =	ssettm $0x1  }
0x9: {  	s19 =	sld [smem:$0x3FFB];
	_ =	sdelay $0x3  }
0xa: {  	_ =	strace s19  }
0xb: {  	s3 =	sld [smem:$0x3FFC];
	_ =	sdelay $0x3  }
0xc: {  	_ =	strace s3  }
0xd: {  	s3 =	sld [smem:$0x3FFD];
	_ =	sdelay $0x3  }
0xe: {  	_ =	strace s3  }
0xf: {  	_ =	strace $0x8FFFFFFF  }
0x10: {  	s20 =	sld [smem:$0x3FDB];
	_ =	sdelay $0x1  }
0x11: {  	s4 =	simm.s32 $_scs_section_size  }
0x12: {  	s5 =	simm.s32 $_size__tile_overlayer_lowered;
	s6 =	simm.s32 $_tile_overlayer_lowered  }
0x13: {  	s23 =	simm.s32 $0x1BFF;
	s22 =	sshll.u32 s6, $0x1;
	s3 =	sadd.s32 s4, s20  }
0x14: {  	s7 =	simm.s32 $0x0;
	s21 =	sshll.u32 s5, $0x1;
	s5 =	sadd.s32 s22, s3  }
0x15: {  	[timem:s7], [sflag:s23] =	dma.local [hbm:s5], s21  }
0x16: {  	_ =	swait.ge [sflag:s23], s21  }
0x17: {  	s4 =	ssub.s32 $0x0, s21;
	[sflag:s23] =	ssyncset.done $0x0  }
0x18: {  	[sflag:s23] =	ssyncadd.s32 s4;
	_ =	sdelay $0x1  }
0x19: {  	s24 =	simm.s32 $0x1B8B  }
0x1a: {  	_ =	swait.ge [sflag:s24], $0x1  }
0x1b: {  	[sflag:s24] =	ssyncset.done $0x0  }
0x1c: {  	s26 =	simm.s32 $0x1B8E;
	s25 =	sld [smem:$0x3FFE];
	[sflag:s24] =	ssyncadd.s32 $0xFFFFFFFF  }
0x1d: {  	s27 =	simm.s32 $execute0_lowered;
	[smem:$0x3FD2] =	sst s26  }
0x1e: {  	s5 =	sshll.u32 s27, $0x1;
	_ =	strace $0x80000049;
	[dreg:$0x1] =	wrdreg $0xFFFFFFFF  }
0x1f: {  	s28 =	simm.s32 $_size_execute0_lowered;
	s3 =	sadd.s32 s3, s5;
	[dreg:$0x0] =	wrdreg $0x0  }
0x20: {  	s5 =	sshll.u32 s28, $0x1;
	[dreg:$0x2] =	wrdreg s3  }
0x21: {  	[dreg:$0x3] =	wrdreg s5  }
0x22: {  	[dreg:$0x4] =	wrdreg $0xC0  }
0x23: {  	_ =	task [dreg:s7], $0x5FFFF  }
0x24: {  	[dreg:$0x1] =	wrdreg $0xFFFFFFFF  }
0x25: {  	[dreg:$0x0] =	wrdreg $0x60  }
0x26: {  	[dreg:$0x2] =	wrdreg s25  }
0x27: {  	[dreg:$0x3] =	wrdreg s2  }
0x28: {  	[dreg:$0x4] =	wrdreg $0x9  }
0x29: {  	_ =	task.clear_ibuf [dreg:s7], $0x5FFFF;
	_ =	strace $0x90000049  }
0x2a: {  	s29 =	simm.s32 $0x9;
	_ =	strace $0x8000004B  }
0x2b: {  	_ =	swait.ge [sflag:s29], $0x1  }
0x2c: {  	[sflag:s29] =	ssyncadd.s32 $0xFFFFFFFF  }
0x2d: {  	_ =	strace $0x9000004B  }
0x2e: {  	_ =	sfence  }
0x2f: {  	s30 =	sld [smem:$0x0];
	_ =	sdelay $0x2  }
0x30: {  	s31 =	sshll.u32 s1, $0xD;
	s1 =	sshrl.u32 s1, $0x2  }
0x31: {  	s3 =	sand.u32 $0x4000, s31;
	s1 =	sadd.s32 s1, s30  }
0x32: {  	s0 =	sor.u32 s3, s0;
	s1 =	sshll.u32 s1, $0x11  }
0x33: {  	s0 =	sor.u32 s1, s0  }
0x34: {  	s0 =	sadd.s32 $0x8F2B, s0  }
0x35: {  	[sflag:s0] =	ssyncadd.remote.s32 $0x1  }
0x36: {  	_ =	sfence.sel $0xFFFF  }
0x37: {  	[dreg:$0x0] =	wrdreg $0xFFFFFFFF;
	(pc) =	sbr.abs _section_cstart, $3  }
0x38: {  	[dreg:$0x1] =	wrdreg $0xFFFFFFFF  }
0x39: {  	_ =	task.clear_ibuf [dreg:s7], $0x2FFFF;
	_ =	strace $0x9FFFFFFF  }
0x3a: {  	(tm) =	ssettm $0x7FFFFFFF  }
0x3b: {  	_ =	shalt  }
tec
execute0_lowered:
.L_overlay_start_1:
0x0: {  	(tag) =	ssettag $0x1  }
0x1: {  	s0 =	srdreg.scid  }
0x2: {  	s1 =	sshll.u32 s0, $0x4  }
0x3: {  	s0 =	stileid.u32;
	s1 =	sand.u32 $0x10, s1  }
0x4: {  	s1 =	sor.u32 s0, s1  }
0x5: {  	s6 =	rddreg [dreg:$0x0];
	s4 =	simm.s32 $0x1;
	s2 =	sshll.u32 s1, $0x7  }
0x6: {  	s7 =	simm.s32 $0x2;
	s12 =	simm.s32 $0x0;
	s1 =	ssub.s32 $0x1000, s2  }
0x7: {  	s8 =	simm.s32 $0x8000;
	s13 =	simm.s32 $0x0;
	s3 =	sand.u32 $0xF80, s1  }
0x8: {  	s9 =	simm.s32 $0x0;
	s5 =	sshrl.u32 s1, $0xC;
	p0 =	sne.s32 s3, $0x0  }
.Ltmp0:
0x9: {  	s1 =	rddreg [dreg:$0x2];
	s4 =	simm.s32 @!p0 $0x0;
	(pc) =	sbr.rel .LBB1_1-.Ltmp0, $4  }
0xa: {  	s11 =	simm.s32 $0x0;
	s3 =	rddreg [dreg:$0x1];
	s5 =	sadd.s32 s4, s5  }
0xb: {  	_ =	strace $0x8000004A;
	s4 =	simm.s32 $0x1;
	s5 =	smul.u32 $0x32, s5  }
0xc: {  	s6 =	sadd.s32 $0xA00, s6;
	s10 =	smov.u32 s2;
	[sflag:s4] =	ssyncpa.u1 $0x0  }
0xd: {  	p0 =	por $0x0, $0x0;
	[sflag:s7] =	ssyncpa.u1 $0x0;
	s7 =	sor.u32 $0x1, s5  }
.LBB1_4:
0xe: {  	s16 =	sshll.u32 s13, $0x3;
	s17 =	sand.u32 $0x78, s13  }
0xf: {  	s30 =	sand.u32 $0x7E00, s13;
	s12 =	sshll.u32 s12, $0xF;
	s16 =	sand.u32 $0xC00, s16  }
0x10: {  	[tilespmem:s15+$0x810 ss:$0x81] =	vst.msk $0xffff, v2;
	s31 =	sand.u32 $0x7, s13;
	s16 =	sor.u32 s17, s16;
	s17 =	sadd.s32 s3, s30  }
0x11: {  	[tilespmem:s15+$0x1020 ss:$0x81] =	vst.msk $0xffff, v0;
	s13 =	sshll.u32 s31, $0x12;
	s12 =	sadd.s32 s12, s17;
	s16 =	sshrl.u32 s16, $0x3  }
0x12: {  	[tilespmem:s15+$0x0 ss:$0x81] =	vst.msk $0xffff, v1;
	s13 =	sor.u32 $0x400, s13;
	s12 =	sadd.s32 s16, s12  }
0x13: {  	[hbm4b:s12+s13] =	stream.strided.scatter [tilespmem:s14], [sflag:$0x2], $0x2000, s8, s13, $0x20;
	[tilespmem:$0x8080] =	vst v63  }
.LBB1_5:
0x14: {  	s14 =	sadd.s32 $0x1, s9  }
0x15: {  	s12 =	sadd.s32 $0x1000, s10;
	s16 =	smov.u32 s10;
	p2 =	sgt.s32 s14, $0x31  }
0x16: {  	s16 =	smov.u32 @p2 s12  }
0x17: {  	s14 =	simm.s32 @p2 $0x0;
	p2 =	sgt.s32 s16, $0xFFF  }
0x18: {  	s16 =	smov.u32 @p2 s2;
	p2 =	sne.s32 s11, s7  }
.Ltmp1:
0x19: {  	p1 =	slt.u32 s11, $0x2;
	(pc) =	sbr.rel @!p2 .LBB1_6-.Ltmp1, $4  }
0x1a: {  	s15 =	simm.s32 @!p1 $0x2  }
0x1b: {  	s13 =	smov.u32 s10;
	p0 =	por !p0, !p0;
	_ =	swait.ge @!p1 [sflag:s15], $0x2000  }
0x1c: {  	s12 =	smov.u32 s9;
	[sflag:s15] =	ssyncset.done @!p1 $0x0;
	s9 =	smov.u32 s14  }
0x1d: {  	s11 =	sadd.s32 $0x1, s11;
	[sflag:s15] =	ssyncadd.s32 @!p1 $0xFFFFE000;
	s10 =	smov.u32 s16  }
.LBB1_1:
0x1e: {  	p1 =	sge.u32 s11, s5  }
0x1f: {  	s14 =	sand.u32 @!p1 $0x1FFFFFF, s9  }
0x20: {  	s15 =	smulhi.u32 @!p1 $0x4924925, s14;
	_ =	sdelay $0x1  }
0x21: {  	s15 =	smul.u32 @!p1 $0x38, s15  }
0x22: {  	s16 =	sxor.u32 @!p1 $0xFFFFFFFF, s11;
	s17 =	smul.u32 @!p1 $0x380, s10  }
0x23: {  	s31 =	sadd.s32 $0xFFFFFFFF, s11;
	s16 =	sshll.u32 @!p1 s16, $0xD;
	s14 =	ssub.s32 @!p1 s14, s15  }
0x24: {  	s15 =	sand.u32 @!p1 $0x2000, s16;
	s16 =	sadd.s32 @!p1 s6, s17;
	s14 =	sshll.u32 @!p1 s14, $0x4  }
0x25: {  	s17 =	simm.s32 @!p1 $0x1C00;
	s14 =	sadd.s32 @!p1 s14, s16;
	s16 =	simm.s32 @!p1 $0x40  }
0x26: {  	[tilespmem:s15], [sflag:$0x1] =	stream.strided.gather @!p1 [hbm4b:s14+s16], $0x2000, s17, s16, $0x38;
	[tilespmem:$0x8080] =	vst v63  }
0x27: {  	p1 =	sge.u32 s31, s5  }
.Ltmp2:
0x28: {  	_ = 	snop;
	(pc) =	sbr.rel @p1 .LBB1_5-.Ltmp2, $1  }
0x29: {  	_ =	sdelay $0x3  }
0x2a: {  	s14 =	simm.s32 $0x1  }
0x2b: {  	_ =	swait.ge [sflag:s4], $0x2000;
	s14 =	simm.s32 @!p0 $0x0  }
0x2c: {  	[sflag:s4] =	ssyncset.done $0x0;
	s15 =	sshll.u32 s14, $0xD  }
0x2d: {  	[sflag:s4] =	ssyncadd.s32 $0xFFFFE000;
	s18 =	sor.u32 $0x20, s15  }
0x2e: {  	s14 =	smul.u32 $0x8100, s14;
	v3 =	vld [tilespmem:s18+$0x10]  }
0x2f: {  	s30 =	sand.u32 $0x1, s11;
	v2 =	vld [tilespmem:s18+$0xFFFFFFF0]  }
0x30: {  	s15 =	smul.u32 $0x8100, s30;
	s14 =	sshrl.u32 s14, $0x2;
	v0 =	vld [tilespmem:s18+$0x0]  }
0x31: {  	v1 =	vld [tilespmem:s18+$0xFFFFFFE0];
	s16 =	sor.u32 $0x4000, s14  }
0x32: {  	s31 =	sshrl.u32 s15, $0x2;
	s15 =	sadd.s32 $0x0, s16  }
0x33: {  	s17 =	simm.s32 $0x4;
	s18 =	sadd.s32 $0x40, s18;
	s14 =	sor.u32 $0x4000, s31;
	[tilespmem:s15+$0x1830 ss:$0x81] =	vst.msk $0xffff, v3  }
.LBB1_3:
0x34: {  	v3 =	vld [tilespmem:s18+$0x10];
	p1 =	sne.s32 s17, $0x1FC;
	[tilespmem:s15+$0x810 ss:$0x81] =	vst.msk $0xffff, v2;
	s19 =	smov.u32 s17;
	s17 =	sadd.s32 $0x4, s17  }
.Ltmp3:
0x35: {  	v2 =	vld [tilespmem:s18+$0xFFFFFFF0];
	[tilespmem:s15+$0x1020 ss:$0x81] =	vst.msk $0xffff, v0;
	(pc) =	sbr.rel @p1 .LBB1_3-.Ltmp3, $4  }
0x36: {  	v0 =	vld [tilespmem:s18+$0x0];
	[tilespmem:s15+$0x0 ss:$0x81] =	vst.msk $0xffff, v1  }
0x37: {  	s15 =	sshra.s32 s19, $0x2;
	v1 =	vld [tilespmem:s18+$0xFFFFFFE0]  }
0x38: {  	s15 =	sadd.s32 s15, s16  }
0x39: {  	s18 =	sadd.s32 $0x40, s18;
	[tilespmem:s15+$0x1830 ss:$0x81] =	vst.msk $0xffff, v3  }
.Ltmp4:
0x3a: {  	_ = 	snop;
	(pc) =	sbr.rel .LBB1_4-.Ltmp4, $1  }
0x3b: {  	_ =	sdelay $0x3  }
.LBB1_6:
0x3c: {  	_ =	sfence.sel $0x180000  }
0x3d: {  	s2 =	simm.s32 $0x1;
	[bflag:$0x0] =	sbarrier.arrive $0xFFFF  }
0x3e: {  	s31 =	simm.s32 $0x2;
	[sflag:s2] =	ssyncpa.u1 $0x1  }
0x3f: {  	[sflag:s31] =	ssyncpa.u1 $0x1  }
0x40: {  	p0 =	sne.s32 s0, $0x0;
	_ =	strace $0x9000004A  }
0x41: {  	s0 =	sadd.s32 @!p0 $0x100000, s1;
	[bflag:$0x2] =	sbarrier.arrive $0xFFFF  }
0x42: {  	[sflag:s0] =	ssyncadd.tile.s32 @!p0 $0x1;
	_ =	shalt  }
.Lfunc_end1:
_tile_overlayer_lowered:
.L_overlay_start_2:
0x43: {  	(tag) =	ssettag $0x2  }
0x44: {  	s0 =	rddreg [dreg:$0x0];
	s2 =	stileid.u32  }
0x45: {  	s1 =	rddreg [dreg:$0x1];
	p0 =	sne.s32 s2, $0x0  }
0x46: {  	s3 =	rddreg [dreg:$0x2];
	[bflag:$0x3] =	sbarrier.arrive $0xFFFF;
	s2 =	simm.s32 @!p0 $0x1C01  }
0x47: {  	[timem:s3], [sflag:s2] =	dma.local @!p0 [hbm:s0], s1  }
0x48: {  	s0 =	simm.s32 @!p0 $0x1  }
0x49: {  	_ =	swait.ge @!p0 [sflag:s0], s1  }
0x4a: {  	s1 =	ssub.s32 @!p0 $0x0, s1;
	[sflag:s0] =	ssyncset.done @!p0 $0x0  }
0x4b: {  	[sflag:s0] =	ssyncadd.s32 @!p0 s1  }
0x4c: {  	[bflag:$0x3] =	sbarrier.arrive $0xFFFF  }
0x4d: {  	_ =	shalt  }

</sc_bundles>
